<compile_context>
chip_gen: v7x
topology: tpu7x:2x2x1
jax: 0.10.2.dev20260603
libtpu: 0.0.44.dev20260713+nightly
codegen_flags: <defaults>
</compile_context>

<pallas_src>
import functools

import jax
import jax.numpy as jnp
from jax import lax
from jax.experimental import pallas as pl
from jax.experimental.pallas import tpu as pltpu
from jax.experimental.pallas import tpu_sc as plsc

NC = 2
NS = 16
NW = NC * NS
LANES = 16
NROW = 3
NIB = 6


def _combine_matmul(partials, w, bias, n_nodes):
    d_in = partials.shape[2]
    d_out = w.shape[1]
    bm = 2000

    def body(p_ref, w_ref, b_ref, o_ref):
        o_ref[...] = jnp.dot(p_ref[0] + p_ref[1], w_ref[...],
                             preferred_element_type=jnp.float32) + b_ref[...]

    return pl.pallas_call(
        body,
        grid=(n_nodes // bm,),
        in_specs=[pl.BlockSpec((2, bm, d_in), lambda i: (0, i, 0)),
                  pl.BlockSpec((d_in, d_out), lambda i: (0, 0)),
                  pl.BlockSpec((1, d_out), lambda i: (0, 0))],
        out_specs=pl.BlockSpec((bm, d_out), lambda i: (i, 0)),
        out_shape=jax.ShapeDtypeStruct((n_nodes, d_out), jnp.float32),
    )(partials, w, bias)


def _sc_aggregate(support, adj1, chunk):
    n_nodes, d = support.shape
    n_edges = adj1.shape[0] // 2
    epw = n_edges // NW
    nchunk = epw // chunk
    rpt = -(-n_nodes // (NS * 8)) * 8
    n_pad = rpt * NS

    mesh = plsc.VectorSubcoreMesh(core_axis_name="c", subcore_axis_name="s",
                                  num_cores=NC, num_subcores=NS)

    @functools.partial(
        pl.kernel,
        out_type=jax.ShapeDtypeStruct((NC * n_pad, d), jnp.float32),
        mesh=mesh,
        scratch_types=[
            pltpu.VMEM_SHARED((n_pad, d), jnp.float32),
            [pltpu.VMEM((chunk,), jnp.int32)] * NIB,
            [pltpu.VMEM((chunk,), jnp.int32)] * NIB,
            [pltpu.VMEM((chunk, d), jnp.float32)] * NROW,
            pltpu.VMEM((chunk // 2, d), jnp.float32),
            [pltpu.SemaphoreType.DMA] * NROW,
            [pltpu.SemaphoreType.DMA] * NROW,
            [pltpu.SemaphoreType.DMA] * NIB,
            [pltpu.SemaphoreType.DMA] * NIB,
            pltpu.SemaphoreType.DMA,
        ],
    )
    def agg(sup_hbm, adj_hbm, out_hbm, acc, srcb, dstb, rows, zbuf, gsem,
            ssem, dssem, ddsem, zsem):
        c = lax.axis_index("c")
        s = lax.axis_index("s")
        w = c * NS + s
        src_base = w * epw
        dst_base = n_edges + w * epw

        def start_idx(i, k):
            pltpu.async_copy(adj_hbm.at[pl.ds(src_base + i * chunk, chunk)],
                             srcb[k], dssem[k])
            pltpu.async_copy(adj_hbm.at[pl.ds(dst_base + i * chunk, chunk)],
                             dstb[k], ddsem[k])

        def wait_dsrc(k):
            pltpu.make_async_copy(adj_hbm.at[pl.ds(src_base, chunk)],
                                  srcb[k], dssem[k]).wait()

        def wait_ddst(k):
            pltpu.make_async_copy(adj_hbm.at[pl.ds(dst_base, chunk)],
                                  dstb[k], ddsem[k]).wait()

        def start_g(b, k):
            pltpu.async_copy(sup_hbm.at[srcb[k]], rows[b], gsem[b])

        def wait_g(b):
            pltpu.make_async_copy(sup_hbm.at[srcb[0]], rows[b],
                                  gsem[b]).wait()

        def start_s(b, k):
            pltpu.async_copy(rows[b], acc.at[dstb[k]], ssem[b], add=True)

        def wait_s(b):
            pltpu.make_async_copy(rows[b], acc.at[dstb[0]], ssem[b]).wait()

        def chunk_body(i, b, k, first, pre_g, pre_i):
            wait_g(b)
            wait_ddst(k)
            start_s(b, k)
            wait_s(b)
            if pre_g:
                wait_dsrc((k + 3) % NIB)
                start_g(b, (k + 3) % NIB)
            if pre_i:
                start_idx(i + 4, (k + 4) % NIB)

        for i in range(4):
            start_idx(i, i)
        zeros = jnp.zeros((LANES,), jnp.float32)
        per_row = d // LANES
        zrows = chunk // 2

        def zstep(i, _):
            zbuf[i // per_row, pl.ds((i % per_row) * LANES, LANES)] = zeros
            return 0

        lax.fori_loop(0, zrows * per_row, zstep, 0)
        for i in range(3):
            wait_dsrc(i)
            start_g(i % NROW, i)
        nzcopy = 0
        off_r = 0
        while off_r + zrows <= rpt:
            pltpu.async_copy(zbuf, acc.at[pl.ds(s * rpt + off_r, zrows)],
                             zsem)
            off_r += zrows
            nzcopy += 1
        if rpt - off_r:
            pltpu.async_copy(zbuf.at[pl.ds(0, rpt - off_r)],
                             acc.at[pl.ds(s * rpt + off_r, rpt - off_r)],
                             zsem)
        for _ in range(nzcopy):
            pltpu.make_async_copy(zbuf, acc.at[pl.ds(s * rpt, zrows)],
                                  zsem).wait()
        if rpt - off_r:
            pltpu.make_async_copy(zbuf.at[pl.ds(0, rpt - off_r)],
                                  acc.at[pl.ds(s * rpt, rpt - off_r)],
                                  zsem).wait()
        plsc.subcore_barrier()
        for i in range(3):
            chunk_body(i, i % NROW, i % NIB, i == 0, True, True)
        ngroup = (nchunk - 3 - 4) // NIB

        def step(j, _):
            for bb in range(NIB):
                i = 3 + j * NIB + bb
                chunk_body(i, (3 + bb) % NROW, (3 + bb) % NIB, False,
                           True, True)
            return 0

        lax.fori_loop(0, ngroup, step, 0)
        for i in range(3 + ngroup * NIB, nchunk):
            chunk_body(i, i % NROW, i % NIB, False,
                       i + 3 < nchunk, i + 4 < nchunk)
        plsc.subcore_barrier()

        pltpu.sync_copy(acc.at[pl.ds(s * rpt, rpt)],
                        out_hbm.at[pl.ds(c * n_pad + s * rpt, rpt)])

    return agg(support, adj1)


def kernel(input, adj, W, b):
    n_nodes, d_in = input.shape
    d_out = W.shape[1]
    partials = _sc_aggregate(input, adj.reshape(-1), 80)
    partials = partials.reshape(NC, partials.shape[0] // NC, d_in)
    return _combine_matmul(partials, W, b.reshape(1, d_out), n_nodes)

# --- scband reference (transcript-rebuilt; emitter-appended) ---
"""Pipeline reference for scband-mlp-352187319085 (READ-ONLY COPY).

The authoritative reference and input builder live on the scoring server;
editing this copy changes nothing except your own understanding.
"""

import jax, jax.numpy as jnp
import numpy as np

N_NODES = 10000
N_EDGES = 320000
D_IN = 128
D_OUT = 128


def _xavier_uniform(key, fan_in, fan_out, gain):
    limit = gain * np.sqrt(6.0 / (fan_in + fan_out))
    return jax.random.uniform(key, (fan_in, fan_out), jnp.float32, -limit, limit)


def setup_inputs(seed: int = 0) -> dict:
    key = jax.random.key(seed)
    k1, k2, k3 = jax.random.split(key, 3)
    x = jax.random.normal(k1, (N_NODES, D_IN), dtype=jnp.float32)
    edge_index = jax.random.randint(k2, (2, N_EDGES), 0, N_NODES, dtype=jnp.int32)
    gain = np.sqrt(2.0)  # nn.init.calculate_gain('relu')
    W = _xavier_uniform(k3, D_IN, D_OUT, gain)
    b = jnp.zeros((D_OUT,), dtype=jnp.float32)
    return {"input": x, "adj": edge_index, "W": W, "b": b}


def reference(input, adj, W, b):
    # support = input @ W  (torch.mm)
    support = jnp.dot(input, W)
    # output = spmm(adj, support) + bias, with adj given as COO edge_index
    # adjacency A[dst, src] = 1 -> out[i] = sum_{j: (j->i) in E} support[j]
    src = adj[0]
    dst = adj[1]
    gathered = jnp.take(support, src, axis=0)
    out = jax.ops.segment_sum(gathered, dst, num_segments=input.shape[0])
    return out + b

if __name__ == "__main__":
    import jax
    _d = setup_inputs()
    print(jax.jit(kernel)(*tuple(_d.values())))

</pallas_src>

<mosaic_0001>
#map = affine_map<(d0, d1) -> (0, 0)>
#map1 = affine_map<(d0, d1) -> (0)>
module attributes {stable_mosaic.version = 14 : i64} {
  func.func @agg(%arg0: i32, %arg1: i32, %arg2: memref<10000x128xf32, #tpu.memory_space<hbm>>, %arg3: memref<640000xi32, #tpu.memory_space<hbm>>, %arg4: memref<20224x128xf32, #tpu.memory_space<hbm>>, %arg5: memref<10112x128xf32, #tpu.memory_space<vmem_shared>>, %arg6: memref<80xi32, #tpu.memory_space<vmem>>, %arg7: memref<80xi32, #tpu.memory_space<vmem>>, %arg8: memref<80xi32, #tpu.memory_space<vmem>>, %arg9: memref<80xi32, #tpu.memory_space<vmem>>, %arg10: memref<80xi32, #tpu.memory_space<vmem>>, %arg11: memref<80xi32, #tpu.memory_space<vmem>>, %arg12: memref<80xi32, #tpu.memory_space<vmem>>, %arg13: memref<80xi32, #tpu.memory_space<vmem>>, %arg14: memref<80xi32, #tpu.memory_space<vmem>>, %arg15: memref<80xi32, #tpu.memory_space<vmem>>, %arg16: memref<80xi32, #tpu.memory_space<vmem>>, %arg17: memref<80xi32, #tpu.memory_space<vmem>>, %arg18: memref<80x128xf32, #tpu.memory_space<vmem>>, %arg19: memref<80x128xf32, #tpu.memory_space<vmem>>, %arg20: memref<80x128xf32, #tpu.memory_space<vmem>>, %arg21: memref<40x128xf32, #tpu.memory_space<vmem>>, %arg22: memref<!tpu.dma_semaphore, #tpu.memory_space<semaphore_mem>>, %arg23: memref<!tpu.dma_semaphore, #tpu.memory_space<semaphore_mem>>, %arg24: memref<!tpu.dma_semaphore, #tpu.memory_space<semaphore_mem>>, %arg25: memref<!tpu.dma_semaphore, #tpu.memory_space<semaphore_mem>>, %arg26: memref<!tpu.dma_semaphore, #tpu.memory_space<semaphore_mem>>, %arg27: memref<!tpu.dma_semaphore, #tpu.memory_space<semaphore_mem>>, %arg28: memref<!tpu.dma_semaphore, #tpu.memory_space<semaphore_mem>>, %arg29: memref<!tpu.dma_semaphore, #tpu.memory_space<semaphore_mem>>, %arg30: memref<!tpu.dma_semaphore, #tpu.memory_space<semaphore_mem>>, %arg31: memref<!tpu.dma_semaphore, #tpu.memory_space<semaphore_mem>>, %arg32: memref<!tpu.dma_semaphore, #tpu.memory_space<semaphore_mem>>, %arg33: memref<!tpu.dma_semaphore, #tpu.memory_space<semaphore_mem>>, %arg34: memref<!tpu.dma_semaphore, #tpu.memory_space<semaphore_mem>>, %arg35: memref<!tpu.dma_semaphore, #tpu.memory_space<semaphore_mem>>, %arg36: memref<!tpu.dma_semaphore, #tpu.memory_space<semaphore_mem>>, %arg37: memref<!tpu.dma_semaphore, #tpu.memory_space<semaphore_mem>>, %arg38: memref<!tpu.dma_semaphore, #tpu.memory_space<semaphore_mem>>, %arg39: memref<!tpu.dma_semaphore, #tpu.memory_space<semaphore_mem>>, %arg40: memref<!tpu.dma_semaphore, #tpu.memory_space<semaphore_mem>>) attributes {dimension_semantics = [#tpu.dimension_semantics<core_parallel>, #tpu.dimension_semantics<subcore_parallel>], iteration_bounds = array<i64: 2, 16>, scalar_prefetch = 0 : i64, scratch_operands = 36 : i64, tpu.core_type = #tpu.core_type<sc_vector_subcore>, window_params = [{transform_indices = #map}, {transform_indices = #map1}, {transform_indices = #map}]} {
    %mul3A = arith.constant 16 : i32
    %mul3A_0 = arith.muli %arg0, %mul3A : i32
    %add3A = arith.addi %mul3A_0, %arg1 : i32
    %mul3A_1 = arith.constant 10000 : i32
    %mul3A_2 = arith.muli %add3A, %mul3A_1 : i32
    %mul3A_3 = arith.constant 10000 : i32
    %mul3A_4 = arith.muli %add3A, %mul3A_3 : i32
    %add3A_5 = arith.constant 320000 : i32
    %add3A_6 = arith.addi %add3A_5, %mul3A_4 : i32
    %add3A_7 = arith.constant 0 : i32
    %add3A_8 = arith.addi %mul3A_2, %add3A_7 : i32
    %dma_start3A = tpu.memref_slice %arg3[%add3A_8] : memref<640000xi32, #tpu.memory_space<hbm>> -> memref<80xi32, #tpu.memory_space<hbm>>
    %dma_start3A_9 = tpu.memref_slice %arg3[%add3A_8] : memref<640000xi32, #tpu.memory_space<hbm>> -> memref<80xi32, #tpu.memory_space<hbm>>
    tpu.enqueue_dma source(%dma_start3A_9 : memref<80xi32, #tpu.memory_space<hbm>>) target(%arg6 : memref<80xi32, #tpu.memory_space<vmem>>) target_semaphore(%arg28 : memref<!tpu.dma_semaphore, #tpu.memory_space<semaphore_mem>>)
    %add3A_10 = arith.constant 0 : i32
    %add3A_11 = arith.addi %add3A_6, %add3A_10 : i32
    %dma_start3A_12 = tpu.memref_slice %arg3[%add3A_11] : memref<640000xi32, #tpu.memory_space<hbm>> -> memref<80xi32, #tpu.memory_space<hbm>>
    %dma_start3A_13 = tpu.memref_slice %arg3[%add3A_11] : memref<640000xi32, #tpu.memory_space<hbm>> -> memref<80xi32, #tpu.memory_space<hbm>>
    tpu.enqueue_dma source(%dma_start3A_13 : memref<80xi32, #tpu.memory_space<hbm>>) target(%arg12 : memref<80xi32, #tpu.memory_space<vmem>>) target_semaphore(%arg34 : memref<!tpu.dma_semaphore, #tpu.memory_space<semaphore_mem>>)
    %add3A_14 = arith.constant 80 : i32
    %add3A_15 = arith.addi %mul3A_2, %add3A_14 : i32
    %dma_start3A_16 = tpu.memref_slice %arg3[%add3A_15] : memref<640000xi32, #tpu.memory_space<hbm>> -> memref<80xi32, #tpu.memory_space<hbm>>
    %dma_start3A_17 = tpu.memref_slice %arg3[%add3A_15] : memref<640000xi32, #tpu.memory_space<hbm>> -> memref<80xi32, #tpu.memory_space<hbm>>
    tpu.enqueue_dma source(%dma_start3A_17 : memref<80xi32, #tpu.memory_space<hbm>>) target(%arg7 : memref<80xi32, #tpu.memory_space<vmem>>) target_semaphore(%arg29 : memref<!tpu.dma_semaphore, #tpu.memory_space<semaphore_mem>>)
    %add3A_18 = arith.constant 80 : i32
    %add3A_19 = arith.addi %add3A_6, %add3A_18 : i32
    %dma_start3A_20 = tpu.memref_slice %arg3[%add3A_19] : memref<640000xi32, #tpu.memory_space<hbm>> -> memref<80xi32, #tpu.memory_space<hbm>>
    %dma_start3A_21 = tpu.memref_slice %arg3[%add3A_19] : memref<640000xi32, #tpu.memory_space<hbm>> -> memref<80xi32, #tpu.memory_space<hbm>>
    tpu.enqueue_dma source(%dma_start3A_21 : memref<80xi32, #tpu.memory_space<hbm>>) target(%arg13 : memref<80xi32, #tpu.memory_space<vmem>>) target_semaphore(%arg35 : memref<!tpu.dma_semaphore, #tpu.memory_space<semaphore_mem>>)
    %add3A_22 = arith.constant 160 : i32
    %add3A_23 = arith.addi %mul3A_2, %add3A_22 : i32
    %dma_start3A_24 = tpu.memref_slice %arg3[%add3A_23] : memref<640000xi32, #tpu.memory_space<hbm>> -> memref<80xi32, #tpu.memory_space<hbm>>
    %dma_start3A_25 = tpu.memref_slice %arg3[%add3A_23] : memref<640000xi32, #tpu.memory_space<hbm>> -> memref<80xi32, #tpu.memory_space<hbm>>
    tpu.enqueue_dma source(%dma_start3A_25 : memref<80xi32, #tpu.memory_space<hbm>>) target(%arg8 : memref<80xi32, #tpu.memory_space<vmem>>) target_semaphore(%arg30 : memref<!tpu.dma_semaphore, #tpu.memory_space<semaphore_mem>>)
    %add3A_26 = arith.constant 160 : i32
    %add3A_27 = arith.addi %add3A_6, %add3A_26 : i32
    %dma_start3A_28 = tpu.memref_slice %arg3[%add3A_27] : memref<640000xi32, #tpu.memory_space<hbm>> -> memref<80xi32, #tpu.memory_space<hbm>>
    %dma_start3A_29 = tpu.memref_slice %arg3[%add3A_27] : memref<640000xi32, #tpu.memory_space<hbm>> -> memref<80xi32, #tpu.memory_space<hbm>>
    tpu.enqueue_dma source(%dma_start3A_29 : memref<80xi32, #tpu.memory_space<hbm>>) target(%arg14 : memref<80xi32, #tpu.memory_space<vmem>>) target_semaphore(%arg36 : memref<!tpu.dma_semaphore, #tpu.memory_space<semaphore_mem>>)
    %add3A_30 = arith.constant 240 : i32
    %add3A_31 = arith.addi %mul3A_2, %add3A_30 : i32
    %dma_start3A_32 = tpu.memref_slice %arg3[%add3A_31] : memref<640000xi32, #tpu.memory_space<hbm>> -> memref<80xi32, #tpu.memory_space<hbm>>
    %dma_start3A_33 = tpu.memref_slice %arg3[%add3A_31] : memref<640000xi32, #tpu.memory_space<hbm>> -> memref<80xi32, #tpu.memory_space<hbm>>
    tpu.enqueue_dma source(%dma_start3A_33 : memref<80xi32, #tpu.memory_space<hbm>>) target(%arg9 : memref<80xi32, #tpu.memory_space<vmem>>) target_semaphore(%arg31 : memref<!tpu.dma_semaphore, #tpu.memory_space<semaphore_mem>>)
    %add3A_34 = arith.constant 240 : i32
    %add3A_35 = arith.addi %add3A_6, %add3A_34 : i32
    %dma_start3A_36 = tpu.memref_slice %arg3[%add3A_35] : memref<640000xi32, #tpu.memory_space<hbm>> -> memref<80xi32, #tpu.memory_space<hbm>>
    %dma_start3A_37 = tpu.memref_slice %arg3[%add3A_35] : memref<640000xi32, #tpu.memory_space<hbm>> -> memref<80xi32, #tpu.memory_space<hbm>>
    tpu.enqueue_dma source(%dma_start3A_37 : memref<80xi32, #tpu.memory_space<hbm>>) target(%arg15 : memref<80xi32, #tpu.memory_space<vmem>>) target_semaphore(%arg37 : memref<!tpu.dma_semaphore, #tpu.memory_space<semaphore_mem>>)
    %broadcast_in_dim3A = arith.constant 0.000000e+00 : f32
    %broadcast_in_dim3A_38 = vector.broadcast %broadcast_in_dim3A : f32 to vector<16xf32>
    %scan3A = arith.constant 0 : i32
    %scan3A_39 = arith.constant 0 : i32
    %scan3A_40 = arith.constant 320 : i32
    %scan3A_41 = arith.addi %scan3A_39, %scan3A_40 : i32
    %scan3A_42 = arith.constant 1 : i32
    %scan3A_43 = scf.for %scan3A_527 = %scan3A_39 to %scan3A_41 step %scan3A_42 iter_args(%scan3A_528 = %scan3A) -> (i32)  : i32 {
      %jit3A = arith.constant 8 : i32
      %div3A = arith.divsi %scan3A_527, %jit3A : i32
      %sign3A = arith.constant 0 : i32
      %sign3A_529 = arith.cmpi sgt, %scan3A_527, %sign3A : i32
      %sign3A_530 = arith.extui %sign3A_529 : i1 to i32
      %sign3A_531 = arith.constant 0 : i32
      %sign3A_532 = arith.cmpi slt, %scan3A_527, %sign3A_531 : i32
      %sign3A_533 = arith.extui %sign3A_532 : i1 to i32
      %sign3A_534 = arith.subi %sign3A_530, %sign3A_533 : i32
      %sign3A_535 = arith.constant 0 : i32
      %sign3A_536 = arith.cmpi sgt, %jit3A, %sign3A_535 : i32
      %sign3A_537 = arith.extui %sign3A_536 : i1 to i32
      %sign3A_538 = arith.constant 0 : i32
      %sign3A_539 = arith.cmpi slt, %jit3A, %sign3A_538 : i32
      %sign3A_540 = arith.extui %sign3A_539 : i1 to i32
      %sign3A_541 = arith.subi %sign3A_537, %sign3A_540 : i32
      %ne3A = arith.cmpi ne, %sign3A_534, %sign3A_541 : i32
      %rem3A = arith.remsi %scan3A_527, %jit3A : i32
      %ne3A_542 = arith.constant 0 : i32
      %ne3A_543 = arith.cmpi ne, %rem3A, %ne3A_542 : i32
      %and3A = arith.andi %ne3A, %ne3A_543 : i1
      %sub3A = arith.constant 1 : i32
      %sub3A_544 = arith.subi %div3A, %sub3A : i32
      %select_n3A = arith.select %and3A, %sub3A_544, %div3A : i32
      %jit3A_545 = arith.constant 8 : i32
      %eq3A = arith.constant 0 : i32
      %eq3A_546 = arith.cmpi eq, %jit3A_545, %eq3A : i32
      %jit3A_547 = arith.constant 1 : i32
      %select_n3A_548 = arith.select %eq3A_546, %jit3A_547, %jit3A_545 : i32
      %rem3A_549 = arith.remsi %scan3A_527, %select_n3A_548 : i32
      %ne3A_550 = arith.constant 0 : i32
      %ne3A_551 = arith.cmpi ne, %rem3A_549, %ne3A_550 : i32
      %lt3A = arith.constant 0 : i32
      %lt3A_552 = arith.cmpi slt, %rem3A_549, %lt3A : i32
      %lt3A_553 = arith.constant 0 : i32
      %lt3A_554 = arith.cmpi slt, %select_n3A_548, %lt3A_553 : i32
      %ne3A_555 = arith.xori %lt3A_552, %lt3A_554 : i1
      %and3A_556 = arith.andi %ne3A_555, %ne3A_551 : i1
      %add3A_557 = arith.addi %rem3A_549, %select_n3A_548 : i32
      %select_n3A_558 = arith.select %and3A_556, %add3A_557, %rem3A_549 : i32
      %mul3A_559 = arith.constant 16 : i32
      %mul3A_560 = arith.muli %select_n3A_558, %mul3A_559 : i32
      %swap3A = arith.index_cast %select_n3A : i32 to index
      %swap3A_561 = arith.index_cast %mul3A_560 : i32 to index
      %swap3A_562 = tpu.vector_load %arg21[%swap3A, %swap3A_561] {strides = array<i32>} : memref<40x128xf32, #tpu.memory_space<vmem>>, vector<1x16xf32>,
      %swap3A_563 = vector.shape_cast %swap3A_562 : vector<1x16xf32> to vector<16xf32>
      %swap3A_564 = vector.shape_cast %broadcast_in_dim3A_38 : vector<16xf32> to vector<1x16xf32>
      tpu.vector_store %arg21[%swap3A, %swap3A_561], %swap3A_564 {strides = array<i32>} : memref<40x128xf32, #tpu.memory_space<vmem>>, vector<1x16xf32>,
      %scan3A_565 = arith.constant 0 : i32
      scf.yield %scan3A_565 : i32
    }
    %scan3A_44 = arith.constant 320 : i32
    %dma_wait3A = tpu.memref_slice %arg3[%mul3A_2] : memref<640000xi32, #tpu.memory_space<hbm>> -> memref<80xi32, #tpu.memory_space<hbm>>
    %dma_wait3A_45 = tpu.memref_slice %arg3[%mul3A_2] : memref<640000xi32, #tpu.memory_space<hbm>> -> memref<80xi32, #tpu.memory_space<hbm>>
    tpu.wait_dma2 semaphore(%arg28 : memref<!tpu.dma_semaphore, #tpu.memory_space<semaphore_mem>>) src(%dma_wait3A_45 : memref<80xi32, #tpu.memory_space<hbm>>) dst(%arg6 : memref<80xi32, #tpu.memory_space<vmem>>)
    %dma_start3A_46 = arith.constant 0 : i32
    %dma_start3A_47 = arith.constant 0 : i32
    %dma_start3A_48 = tpu.memref_slice %arg2[%dma_start3A_46, %dma_start3A_47] : memref<10000x128xf32, #tpu.memory_space<hbm>> -> memref<10000x128xf32, #tpu.memory_space<hbm>>
    tpu.enqueue_indirect_dma source(%dma_start3A_48 : memref<10000x128xf32, #tpu.memory_space<hbm>>) target(%arg18 : memref<80x128xf32, #tpu.memory_space<vmem>>) offsets(%arg6 : memref<80xi32, #tpu.memory_space<vmem>>) semaphore(%arg22 : memref<!tpu.dma_semaphore, #tpu.memory_space<semaphore_mem>>)
    %dma_wait3A_49 = tpu.memref_slice %arg3[%mul3A_2] : memref<640000xi32, #tpu.memory_space<hbm>> -> memref<80xi32, #tpu.memory_space<hbm>>
    %dma_wait3A_50 = tpu.memref_slice %arg3[%mul3A_2] : memref<640000xi32, #tpu.memory_space<hbm>> -> memref<80xi32, #tpu.memory_space<hbm>>
    tpu.wait_dma2 semaphore(%arg29 : memref<!tpu.dma_semaphore, #tpu.memory_space<semaphore_mem>>) src(%dma_wait3A_50 : memref<80xi32, #tpu.memory_space<hbm>>) dst(%arg7 : memref<80xi32, #tpu.memory_space<vmem>>)
    %dma_start3A_51 = arith.constant 0 : i32
    %dma_start3A_52 = arith.constant 0 : i32
    %dma_start3A_53 = tpu.memref_slice %arg2[%dma_start3A_51, %dma_start3A_52] : memref<10000x128xf32, #tpu.memory_space<hbm>> -> memref<10000x128xf32, #tpu.memory_space<hbm>>
    tpu.enqueue_indirect_dma source(%dma_start3A_53 : memref<10000x128xf32, #tpu.memory_space<hbm>>) target(%arg19 : memref<80x128xf32, #tpu.memory_space<vmem>>) offsets(%arg7 : memref<80xi32, #tpu.memory_space<vmem>>) semaphore(%arg23 : memref<!tpu.dma_semaphore, #tpu.memory_space<semaphore_mem>>)
    %dma_wait3A_54 = tpu.memref_slice %arg3[%mul3A_2] : memref<640000xi32, #tpu.memory_space<hbm>> -> memref<80xi32, #tpu.memory_space<hbm>>
    %dma_wait3A_55 = tpu.memref_slice %arg3[%mul3A_2] : memref<640000xi32, #tpu.memory_space<hbm>> -> memref<80xi32, #tpu.memory_space<hbm>>
    tpu.wait_dma2 semaphore(%arg30 : memref<!tpu.dma_semaphore, #tpu.memory_space<semaphore_mem>>) src(%dma_wait3A_55 : memref<80xi32, #tpu.memory_space<hbm>>) dst(%arg8 : memref<80xi32, #tpu.memory_space<vmem>>)
    %dma_start3A_56 = arith.constant 0 : i32
    %dma_start3A_57 = arith.constant 0 : i32
    %dma_start3A_58 = tpu.memref_slice %arg2[%dma_start3A_56, %dma_start3A_57] : memref<10000x128xf32, #tpu.memory_space<hbm>> -> memref<10000x128xf32, #tpu.memory_space<hbm>>
    tpu.enqueue_indirect_dma source(%dma_start3A_58 : memref<10000x128xf32, #tpu.memory_space<hbm>>) target(%arg20 : memref<80x128xf32, #tpu.memory_space<vmem>>) offsets(%arg8 : memref<80xi32, #tpu.memory_space<vmem>>) semaphore(%arg24 : memref<!tpu.dma_semaphore, #tpu.memory_space<semaphore_mem>>)
    %mul3A_59 = arith.constant 632 : i32
    %mul3A_60 = arith.muli %arg1, %mul3A_59 : i32
    %add3A_61 = arith.constant 0 : i32
    %add3A_62 = arith.addi %mul3A_60, %add3A_61 : i32
    %dma_start3A_63 = arith.constant 0 : i32
    %dma_start3A_64 = tpu.memref_slice %arg5[%add3A_62, %dma_start3A_63] : memref<10112x128xf32, #tpu.memory_space<vmem_shared>> -> memref<40x128xf32, #tpu.memory_space<vmem_shared>>
    %dma_start3A_65 = arith.constant 0 : i32
    %dma_start3A_66 = tpu.memref_slice %arg5[%add3A_62, %dma_start3A_65] : memref<10112x128xf32, #tpu.memory_space<vmem_shared>> -> memref<40x128xf32, #tpu.memory_space<vmem_shared>>
    tpu.enqueue_dma source(%arg21 : memref<40x128xf32, #tpu.memory_space<vmem>>) target(%dma_start3A_66 : memref<40x128xf32, #tpu.memory_space<vmem_shared>>) target_semaphore(%arg40 : memref<!tpu.dma_semaphore, #tpu.memory_space<semaphore_mem>>)
    %mul3A_67 = arith.constant 632 : i32
    %mul3A_68 = arith.muli %arg1, %mul3A_67 : i32
    %add3A_69 = arith.constant 40 : i32
    %add3A_70 = arith.addi %mul3A_68, %add3A_69 : i32
    %dma_start3A_71 = arith.constant 0 : i32
    %dma_start3A_72 = tpu.memref_slice %arg5[%add3A_70, %dma_start3A_71] : memref<10112x128xf32, #tpu.memory_space<vmem_shared>> -> memref<40x128xf32, #tpu.memory_space<vmem_shared>>
    %dma_start3A_73 = arith.constant 0 : i32
    %dma_start3A_74 = tpu.memref_slice %arg5[%add3A_70, %dma_start3A_73] : memref<10112x128xf32, #tpu.memory_space<vmem_shared>> -> memref<40x128xf32, #tpu.memory_space<vmem_shared>>
    tpu.enqueue_dma source(%arg21 : memref<40x128xf32, #tpu.memory_space<vmem>>) target(%dma_start3A_74 : memref<40x128xf32, #tpu.memory_space<vmem_shared>>) target_semaphore(%arg40 : memref<!tpu.dma_semaphore, #tpu.memory_space<semaphore_mem>>)
    %mul3A_75 = arith.constant 632 : i32
    %mul3A_76 = arith.muli %arg1, %mul3A_75 : i32
    %add3A_77 = arith.constant 80 : i32
    %add3A_78 = arith.addi %mul3A_76, %add3A_77 : i32
    %dma_start3A_79 = arith.constant 0 : i32
    %dma_start3A_80 = tpu.memref_slice %arg5[%add3A_78, %dma_start3A_79] : memref<10112x128xf32, #tpu.memory_space<vmem_shared>> -> memref<40x128xf32, #tpu.memory_space<vmem_shared>>
    %dma_start3A_81 = arith.constant 0 : i32
    %dma_start3A_82 = tpu.memref_slice %arg5[%add3A_78, %dma_start3A_81] : memref<10112x128xf32, #tpu.memory_space<vmem_shared>> -> memref<40x128xf32, #tpu.memory_space<vmem_shared>>
    tpu.enqueue_dma source(%arg21 : memref<40x128xf32, #tpu.memory_space<vmem>>) target(%dma_start3A_82 : memref<40x128xf32, #tpu.memory_space<vmem_shared>>) target_semaphore(%arg40 : memref<!tpu.dma_semaphore, #tpu.memory_space<semaphore_mem>>)
    %mul3A_83 = arith.constant 632 : i32
    %mul3A_84 = arith.muli %arg1, %mul3A_83 : i32
    %add3A_85 = arith.constant 120 : i32
    %add3A_86 = arith.addi %mul3A_84, %add3A_85 : i32
    %dma_start3A_87 = arith.constant 0 : i32
    %dma_start3A_88 = tpu.memref_slice %arg5[%add3A_86, %dma_start3A_87] : memref<10112x128xf32, #tpu.memory_space<vmem_shared>> -> memref<40x128xf32, #tpu.memory_space<vmem_shared>>
    %dma_start3A_89 = arith.constant 0 : i32
    %dma_start3A_90 = tpu.memref_slice %arg5[%add3A_86, %dma_start3A_89] : memref<10112x128xf32, #tpu.memory_space<vmem_shared>> -> memref<40x128xf32, #tpu.memory_space<vmem_shared>>
    tpu.enqueue_dma source(%arg21 : memref<40x128xf32, #tpu.memory_space<vmem>>) target(%dma_start3A_90 : memref<40x128xf32, #tpu.memory_space<vmem_shared>>) target_semaphore(%arg40 : memref<!tpu.dma_semaphore, #tpu.memory_space<semaphore_mem>>)
    %mul3A_91 = arith.constant 632 : i32
    %mul3A_92 = arith.muli %arg1, %mul3A_91 : i32
    %add3A_93 = arith.constant 160 : i32
    %add3A_94 = arith.addi %mul3A_92, %add3A_93 : i32
    %dma_start3A_95 = arith.constant 0 : i32
    %dma_start3A_96 = tpu.memref_slice %arg5[%add3A_94, %dma_start3A_95] : memref<10112x128xf32, #tpu.memory_space<vmem_shared>> -> memref<40x128xf32, #tpu.memory_space<vmem_shared>>
    %dma_start3A_97 = arith.constant 0 : i32
    %dma_start3A_98 = tpu.memref_slice %arg5[%add3A_94, %dma_start3A_97] : memref<10112x128xf32, #tpu.memory_space<vmem_shared>> -> memref<40x128xf32, #tpu.memory_space<vmem_shared>>
    tpu.enqueue_dma source(%arg21 : memref<40x128xf32, #tpu.memory_space<vmem>>) target(%dma_start3A_98 : memref<40x128xf32, #tpu.memory_space<vmem_shared>>) target_semaphore(%arg40 : memref<!tpu.dma_semaphore, #tpu.memory_space<semaphore_mem>>)
    %mul3A_99 = arith.constant 632 : i32
    %mul3A_100 = arith.muli %arg1, %mul3A_99 : i32
    %add3A_101 = arith.constant 200 : i32
    %add3A_102 = arith.addi %mul3A_100, %add3A_101 : i32
    %dma_start3A_103 = arith.constant 0 : i32
    %dma_start3A_104 = tpu.memref_slice %arg5[%add3A_102, %dma_start3A_103] : memref<10112x128xf32, #tpu.memory_space<vmem_shared>> -> memref<40x128xf32, #tpu.memory_space<vmem_shared>>
    %dma_start3A_105 = arith.constant 0 : i32
    %dma_start3A_106 = tpu.memref_slice %arg5[%add3A_102, %dma_start3A_105] : memref<10112x128xf32, #tpu.memory_space<vmem_shared>> -> memref<40x128xf32, #tpu.memory_space<vmem_shared>>
    tpu.enqueue_dma source(%arg21 : memref<40x128xf32, #tpu.memory_space<vmem>>) target(%dma_start3A_106 : memref<40x128xf32, #tpu.memory_space<vmem_shared>>) target_semaphore(%arg40 : memref<!tpu.dma_semaphore, #tpu.memory_space<semaphore_mem>>)
    %mul3A_107 = arith.constant 632 : i32
    %mul3A_108 = arith.muli %arg1, %mul3A_107 : i32
    %add3A_109 = arith.constant 240 : i32
    %add3A_110 = arith.addi %mul3A_108, %add3A_109 : i32
    %dma_start3A_111 = arith.constant 0 : i32
    %dma_start3A_112 = tpu.memref_slice %arg5[%add3A_110, %dma_start3A_111] : memref<10112x128xf32, #tpu.memory_space<vmem_shared>> -> memref<40x128xf32, #tpu.memory_space<vmem_shared>>
    %dma_start3A_113 = arith.constant 0 : i32
    %dma_start3A_114 = tpu.memref_slice %arg5[%add3A_110, %dma_start3A_113] : memref<10112x128xf32, #tpu.memory_space<vmem_shared>> -> memref<40x128xf32, #tpu.memory_space<vmem_shared>>
    tpu.enqueue_dma source(%arg21 : memref<40x128xf32, #tpu.memory_space<vmem>>) target(%dma_start3A_114 : memref<40x128xf32, #tpu.memory_space<vmem_shared>>) target_semaphore(%arg40 : memref<!tpu.dma_semaphore, #tpu.memory_space<semaphore_mem>>)
    %mul3A_115 = arith.constant 632 : i32
    %mul3A_116 = arith.muli %arg1, %mul3A_115 : i32
    %add3A_117 = arith.constant 280 : i32
    %add3A_118 = arith.addi %mul3A_116, %add3A_117 : i32
    %dma_start3A_119 = arith.constant 0 : i32
    %dma_start3A_120 = tpu.memref_slice %arg5[%add3A_118, %dma_start3A_119] : memref<10112x128xf32, #tpu.memory_space<vmem_shared>> -> memref<40x128xf32, #tpu.memory_space<vmem_shared>>
    %dma_start3A_121 = arith.constant 0 : i32
    %dma_start3A_122 = tpu.memref_slice %arg5[%add3A_118, %dma_start3A_121] : memref<10112x128xf32, #tpu.memory_space<vmem_shared>> -> memref<40x128xf32, #tpu.memory_space<vmem_shared>>
    tpu.enqueue_dma source(%arg21 : memref<40x128xf32, #tpu.memory_space<vmem>>) target(%dma_start3A_122 : memref<40x128xf32, #tpu.memory_space<vmem_shared>>) target_semaphore(%arg40 : memref<!tpu.dma_semaphore, #tpu.memory_space<semaphore_mem>>)
    %mul3A_123 = arith.constant 632 : i32
    %mul3A_124 = arith.muli %arg1, %mul3A_123 : i32
    %add3A_125 = arith.constant 320 : i32
    %add3A_126 = arith.addi %mul3A_124, %add3A_125 : i32
    %dma_start3A_127 = arith.constant 0 : i32
    %dma_start3A_128 = tpu.memref_slice %arg5[%add3A_126, %dma_start3A_127] : memref<10112x128xf32, #tpu.memory_space<vmem_shared>> -> memref<40x128xf32, #tpu.memory_space<vmem_shared>>
    %dma_start3A_129 = arith.constant 0 : i32
    %dma_start3A_130 = tpu.memref_slice %arg5[%add3A_126, %dma_start3A_129] : memref<10112x128xf32, #tpu.memory_space<vmem_shared>> -> memref<40x128xf32, #tpu.memory_space<vmem_shared>>
    tpu.enqueue_dma source(%arg21 : memref<40x128xf32, #tpu.memory_space<vmem>>) target(%dma_start3A_130 : memref<40x128xf32, #tpu.memory_space<vmem_shared>>) target_semaphore(%arg40 : memref<!tpu.dma_semaphore, #tpu.memory_space<semaphore_mem>>)
    %mul3A_131 = arith.constant 632 : i32
    %mul3A_132 = arith.muli %arg1, %mul3A_131 : i32
    %add3A_133 = arith.constant 360 : i32
    %add3A_134 = arith.addi %mul3A_132, %add3A_133 : i32
    %dma_start3A_135 = arith.constant 0 : i32
    %dma_start3A_136 = tpu.memref_slice %arg5[%add3A_134, %dma_start3A_135] : memref<10112x128xf32, #tpu.memory_space<vmem_shared>> -> memref<40x128xf32, #tpu.memory_space<vmem_shared>>
    %dma_start3A_137 = arith.constant 0 : i32
    %dma_start3A_138 = tpu.memref_slice %arg5[%add3A_134, %dma_start3A_137] : memref<10112x128xf32, #tpu.memory_space<vmem_shared>> -> memref<40x128xf32, #tpu.memory_space<vmem_shared>>
    tpu.enqueue_dma source(%arg21 : memref<40x128xf32, #tpu.memory_space<vmem>>) target(%dma_start3A_138 : memref<40x128xf32, #tpu.memory_space<vmem_shared>>) target_semaphore(%arg40 : memref<!tpu.dma_semaphore, #tpu.memory_space<semaphore_mem>>)
    %mul3A_139 = arith.constant 632 : i32
    %mul3A_140 = arith.muli %arg1, %mul3A_139 : i32
    %add3A_141 = arith.constant 400 : i32
    %add3A_142 = arith.addi %mul3A_140, %add3A_141 : i32
    %dma_start3A_143 = arith.constant 0 : i32
    %dma_start3A_144 = tpu.memref_slice %arg5[%add3A_142, %dma_start3A_143] : memref<10112x128xf32, #tpu.memory_space<vmem_shared>> -> memref<40x128xf32, #tpu.memory_space<vmem_shared>>
    %dma_start3A_145 = arith.constant 0 : i32
    %dma_start3A_146 = tpu.memref_slice %arg5[%add3A_142, %dma_start3A_145] : memref<10112x128xf32, #tpu.memory_space<vmem_shared>> -> memref<40x128xf32, #tpu.memory_space<vmem_shared>>
    tpu.enqueue_dma source(%arg21 : memref<40x128xf32, #tpu.memory_space<vmem>>) target(%dma_start3A_146 : memref<40x128xf32, #tpu.memory_space<vmem_shared>>) target_semaphore(%arg40 : memref<!tpu.dma_semaphore, #tpu.memory_space<semaphore_mem>>)
    %mul3A_147 = arith.constant 632 : i32
    %mul3A_148 = arith.muli %arg1, %mul3A_147 : i32
    %add3A_149 = arith.constant 440 : i32
    %add3A_150 = arith.addi %mul3A_148, %add3A_149 : i32
    %dma_start3A_151 = arith.constant 0 : i32
    %dma_start3A_152 = tpu.memref_slice %arg5[%add3A_150, %dma_start3A_151] : memref<10112x128xf32, #tpu.memory_space<vmem_shared>> -> memref<40x128xf32, #tpu.memory_space<vmem_shared>>
    %dma_start3A_153 = arith.constant 0 : i32
    %dma_start3A_154 = tpu.memref_slice %arg5[%add3A_150, %dma_start3A_153] : memref<10112x128xf32, #tpu.memory_space<vmem_shared>> -> memref<40x128xf32, #tpu.memory_space<vmem_shared>>
    tpu.enqueue_dma source(%arg21 : memref<40x128xf32, #tpu.memory_space<vmem>>) target(%dma_start3A_154 : memref<40x128xf32, #tpu.memory_space<vmem_shared>>) target_semaphore(%arg40 : memref<!tpu.dma_semaphore, #tpu.memory_space<semaphore_mem>>)
    %mul3A_155 = arith.constant 632 : i32
    %mul3A_156 = arith.muli %arg1, %mul3A_155 : i32
    %add3A_157 = arith.constant 480 : i32
    %add3A_158 = arith.addi %mul3A_156, %add3A_157 : i32
    %dma_start3A_159 = arith.constant 0 : i32
    %dma_start3A_160 = tpu.memref_slice %arg5[%add3A_158, %dma_start3A_159] : memref<10112x128xf32, #tpu.memory_space<vmem_shared>> -> memref<40x128xf32, #tpu.memory_space<vmem_shared>>
    %dma_start3A_161 = arith.constant 0 : i32
    %dma_start3A_162 = tpu.memref_slice %arg5[%add3A_158, %dma_start3A_161] : memref<10112x128xf32, #tpu.memory_space<vmem_shared>> -> memref<40x128xf32, #tpu.memory_space<vmem_shared>>
    tpu.enqueue_dma source(%arg21 : memref<40x128xf32, #tpu.memory_space<vmem>>) target(%dma_start3A_162 : memref<40x128xf32, #tpu.memory_space<vmem_shared>>) target_semaphore(%arg40 : memref<!tpu.dma_semaphore, #tpu.memory_space<semaphore_mem>>)
    %mul3A_163 = arith.constant 632 : i32
    %mul3A_164 = arith.muli %arg1, %mul3A_163 : i32
    %add3A_165 = arith.constant 520 : i32
    %add3A_166 = arith.addi %mul3A_164, %add3A_165 : i32
    %dma_start3A_167 = arith.constant 0 : i32
    %dma_start3A_168 = tpu.memref_slice %arg5[%add3A_166, %dma_start3A_167] : memref<10112x128xf32, #tpu.memory_space<vmem_shared>> -> memref<40x128xf32, #tpu.memory_space<vmem_shared>>
    %dma_start3A_169 = arith.constant 0 : i32
    %dma_start3A_170 = tpu.memref_slice %arg5[%add3A_166, %dma_start3A_169] : memref<10112x128xf32, #tpu.memory_space<vmem_shared>> -> memref<40x128xf32, #tpu.memory_space<vmem_shared>>
    tpu.enqueue_dma source(%arg21 : memref<40x128xf32, #tpu.memory_space<vmem>>) target(%dma_start3A_170 : memref<40x128xf32, #tpu.memory_space<vmem_shared>>) target_semaphore(%arg40 : memref<!tpu.dma_semaphore, #tpu.memory_space<semaphore_mem>>)
    %mul3A_171 = arith.constant 632 : i32
    %mul3A_172 = arith.muli %arg1, %mul3A_171 : i32
    %add3A_173 = arith.constant 560 : i32
    %add3A_174 = arith.addi %mul3A_172, %add3A_173 : i32
    %dma_start3A_175 = arith.constant 0 : i32
    %dma_start3A_176 = tpu.memref_slice %arg5[%add3A_174, %dma_start3A_175] : memref<10112x128xf32, #tpu.memory_space<vmem_shared>> -> memref<40x128xf32, #tpu.memory_space<vmem_shared>>
    %dma_start3A_177 = arith.constant 0 : i32
    %dma_start3A_178 = tpu.memref_slice %arg5[%add3A_174, %dma_start3A_177] : memref<10112x128xf32, #tpu.memory_space<vmem_shared>> -> memref<40x128xf32, #tpu.memory_space<vmem_shared>>
    tpu.enqueue_dma source(%arg21 : memref<40x128xf32, #tpu.memory_space<vmem>>) target(%dma_start3A_178 : memref<40x128xf32, #tpu.memory_space<vmem_shared>>) target_semaphore(%arg40 : memref<!tpu.dma_semaphore, #tpu.memory_space<semaphore_mem>>)
    %mul3A_179 = arith.constant 632 : i32
    %mul3A_180 = arith.muli %arg1, %mul3A_179 : i32
    %add3A_181 = arith.constant 600 : i32
    %add3A_182 = arith.addi %mul3A_180, %add3A_181 : i32
    %dma_start3A_183 = arith.constant 0 : i32
    %dma_start3A_184 = arith.constant 0 : i32
    %dma_start3A_185 = tpu.memref_slice %arg21[%dma_start3A_183, %dma_start3A_184] : memref<40x128xf32, #tpu.memory_space<vmem>> -> memref<32x128xf32, #tpu.memory_space<vmem>>
    %dma_start3A_186 = arith.constant 0 : i32
    %dma_start3A_187 = tpu.memref_slice %arg5[%add3A_182, %dma_start3A_186] : memref<10112x128xf32, #tpu.memory_space<vmem_shared>> -> memref<32x128xf32, #tpu.memory_space<vmem_shared>>
    %dma_start3A_188 = arith.constant 0 : i32
    %dma_start3A_189 = tpu.memref_slice %arg5[%add3A_182, %dma_start3A_188] : memref<10112x128xf32, #tpu.memory_space<vmem_shared>> -> memref<32x128xf32, #tpu.memory_space<vmem_shared>>
    %dma_start3A_190 = arith.constant 0 : i32
    %dma_start3A_191 = arith.constant 0 : i32
    %dma_start3A_192 = tpu.memref_slice %arg21[%dma_start3A_190, %dma_start3A_191] : memref<40x128xf32, #tpu.memory_space<vmem>> -> memref<32x128xf32, #tpu.memory_space<vmem>>
    tpu.enqueue_dma source(%dma_start3A_192 : memref<32x128xf32, #tpu.memory_space<vmem>>) target(%dma_start3A_189 : memref<32x128xf32, #tpu.memory_space<vmem_shared>>) target_semaphore(%arg40 : memref<!tpu.dma_semaphore, #tpu.memory_space<semaphore_mem>>)
    %mul3A_193 = arith.constant 632 : i32
    %mul3A_194 = arith.muli %arg1, %mul3A_193 : i32
    %dma_wait3A_195 = arith.constant 0 : i32
    %dma_wait3A_196 = tpu.memref_slice %arg5[%mul3A_194, %dma_wait3A_195] : memref<10112x128xf32, #tpu.memory_space<vmem_shared>> -> memref<40x128xf32, #tpu.memory_space<vmem_shared>>
    %dma_wait3A_197 = arith.constant 0 : i32
    %dma_wait3A_198 = tpu.memref_slice %arg5[%mul3A_194, %dma_wait3A_197] : memref<10112x128xf32, #tpu.memory_space<vmem_shared>> -> memref<40x128xf32, #tpu.memory_space<vmem_shared>>
    tpu.wait_dma2 semaphore(%arg40 : memref<!tpu.dma_semaphore, #tpu.memory_space<semaphore_mem>>) src(%arg21 : memref<40x128xf32, #tpu.memory_space<vmem>>) dst(%dma_wait3A_198 : memref<40x128xf32, #tpu.memory_space<vmem_shared>>)
    %mul3A_199 = arith.constant 632 : i32
    %mul3A_200 = arith.muli %arg1, %mul3A_199 : i32
    %dma_wait3A_201 = arith.constant 0 : i32
    %dma_wait3A_202 = tpu.memref_slice %arg5[%mul3A_200, %dma_wait3A_201] : memref<10112x128xf32, #tpu.memory_space<vmem_shared>> -> memref<40x128xf32, #tpu.memory_space<vmem_shared>>
    %dma_wait3A_203 = arith.constant 0 : i32
    %dma_wait3A_204 = tpu.memref_slice %arg5[%mul3A_200, %dma_wait3A_203] : memref<10112x128xf32, #tpu.memory_space<vmem_shared>> -> memref<40x128xf32, #tpu.memory_space<vmem_shared>>
    tpu.wait_dma2 semaphore(%arg40 : memref<!tpu.dma_semaphore, #tpu.memory_space<semaphore_mem>>) src(%arg21 : memref<40x128xf32, #tpu.memory_space<vmem>>) dst(%dma_wait3A_204 : memref<40x128xf32, #tpu.memory_space<vmem_shared>>)
    %mul3A_205 = arith.constant 632 : i32
    %mul3A_206 = arith.muli %arg1, %mul3A_205 : i32
    %dma_wait3A_207 = arith.constant 0 : i32
    %dma_wait3A_208 = tpu.memref_slice %arg5[%mul3A_206, %dma_wait3A_207] : memref<10112x128xf32, #tpu.memory_space<vmem_shared>> -> memref<40x128xf32, #tpu.memory_space<vmem_shared>>
    %dma_wait3A_209 = arith.constant 0 : i32
    %dma_wait3A_210 = tpu.memref_slice %arg5[%mul3A_206, %dma_wait3A_209] : memref<10112x128xf32, #tpu.memory_space<vmem_shared>> -> memref<40x128xf32, #tpu.memory_space<vmem_shared>>
    tpu.wait_dma2 semaphore(%arg40 : memref<!tpu.dma_semaphore, #tpu.memory_space<semaphore_mem>>) src(%arg21 : memref<40x128xf32, #tpu.memory_space<vmem>>) dst(%dma_wait3A_210 : memref<40x128xf32, #tpu.memory_space<vmem_shared>>)
    %mul3A_211 = arith.constant 632 : i32
    %mul3A_212 = arith.muli %arg1, %mul3A_211 : i32
    %dma_wait3A_213 = arith.constant 0 : i32
    %dma_wait3A_214 = tpu.memref_slice %arg5[%mul3A_212, %dma_wait3A_213] : memref<10112x128xf32, #tpu.memory_space<vmem_shared>> -> memref<40x128xf32, #tpu.memory_space<vmem_shared>>
    %dma_wait3A_215 = arith.constant 0 : i32
    %dma_wait3A_216 = tpu.memref_slice %arg5[%mul3A_212, %dma_wait3A_215] : memref<10112x128xf32, #tpu.memory_space<vmem_shared>> -> memref<40x128xf32, #tpu.memory_space<vmem_shared>>
    tpu.wait_dma2 semaphore(%arg40 : memref<!tpu.dma_semaphore, #tpu.memory_space<semaphore_mem>>) src(%arg21 : memref<40x128xf32, #tpu.memory_space<vmem>>) dst(%dma_wait3A_216 : memref<40x128xf32, #tpu.memory_space<vmem_shared>>)
    %mul3A_217 = arith.constant 632 : i32
    %mul3A_218 = arith.muli %arg1, %mul3A_217 : i32
    %dma_wait3A_219 = arith.constant 0 : i32
    %dma_wait3A_220 = tpu.memref_slice %arg5[%mul3A_218, %dma_wait3A_219] : memref<10112x128xf32, #tpu.memory_space<vmem_shared>> -> memref<40x128xf32, #tpu.memory_space<vmem_shared>>
    %dma_wait3A_221 = arith.constant 0 : i32
    %dma_wait3A_222 = tpu.memref_slice %arg5[%mul3A_218, %dma_wait3A_221] : memref<10112x128xf32, #tpu.memory_space<vmem_shared>> -> memref<40x128xf32, #tpu.memory_space<vmem_shared>>
    tpu.wait_dma2 semaphore(%arg40 : memref<!tpu.dma_semaphore, #tpu.memory_space<semaphore_mem>>) src(%arg21 : memref<40x128xf32, #tpu.memory_space<vmem>>) dst(%dma_wait3A_222 : memref<40x128xf32, #tpu.memory_space<vmem_shared>>)
    %mul3A_223 = arith.constant 632 : i32
    %mul3A_224 = arith.muli %arg1, %mul3A_223 : i32
    %dma_wait3A_225 = arith.constant 0 : i32
    %dma_wait3A_226 = tpu.memref_slice %arg5[%mul3A_224, %dma_wait3A_225] : memref<10112x128xf32, #tpu.memory_space<vmem_shared>> -> memref<40x128xf32, #tpu.memory_space<vmem_shared>>
    %dma_wait3A_227 = arith.constant 0 : i32
    %dma_wait3A_228 = tpu.memref_slice %arg5[%mul3A_224, %dma_wait3A_227] : memref<10112x128xf32, #tpu.memory_space<vmem_shared>> -> memref<40x128xf32, #tpu.memory_space<vmem_shared>>
    tpu.wait_dma2 semaphore(%arg40 : memref<!tpu.dma_semaphore, #tpu.memory_space<semaphore_mem>>) src(%arg21 : memref<40x128xf32, #tpu.memory_space<vmem>>) dst(%dma_wait3A_228 : memref<40x128xf32, #tpu.memory_space<vmem_shared>>)
    %mul3A_229 = arith.constant 632 : i32
    %mul3A_230 = arith.muli %arg1, %mul3A_229 : i32
    %dma_wait3A_231 = arith.constant 0 : i32
    %dma_wait3A_232 = tpu.memref_slice %arg5[%mul3A_230, %dma_wait3A_231] : memref<10112x128xf32, #tpu.memory_space<vmem_shared>> -> memref<40x128xf32, #tpu.memory_space<vmem_shared>>
    %dma_wait3A_233 = arith.constant 0 : i32
    %dma_wait3A_234 = tpu.memref_slice %arg5[%mul3A_230, %dma_wait3A_233] : memref<10112x128xf32, #tpu.memory_space<vmem_shared>> -> memref<40x128xf32, #tpu.memory_space<vmem_shared>>
    tpu.wait_dma2 semaphore(%arg40 : memref<!tpu.dma_semaphore, #tpu.memory_space<semaphore_mem>>) src(%arg21 : memref<40x128xf32, #tpu.memory_space<vmem>>) dst(%dma_wait3A_234 : memref<40x128xf32, #tpu.memory_space<vmem_shared>>)
    %mul3A_235 = arith.constant 632 : i32
    %mul3A_236 = arith.muli %arg1, %mul3A_235 : i32
    %dma_wait3A_237 = arith.constant 0 : i32
    %dma_wait3A_238 = tpu.memref_slice %arg5[%mul3A_236, %dma_wait3A_237] : memref<10112x128xf32, #tpu.memory_space<vmem_shared>> -> memref<40x128xf32, #tpu.memory_space<vmem_shared>>
    %dma_wait3A_239 = arith.constant 0 : i32
    %dma_wait3A_240 = tpu.memref_slice %arg5[%mul3A_236, %dma_wait3A_239] : memref<10112x128xf32, #tpu.memory_space<vmem_shared>> -> memref<40x128xf32, #tpu.memory_space<vmem_shared>>
    tpu.wait_dma2 semaphore(%arg40 : memref<!tpu.dma_semaphore, #tpu.memory_space<semaphore_mem>>) src(%arg21 : memref<40x128xf32, #tpu.memory_space<vmem>>) dst(%dma_wait3A_240 : memref<40x128xf32, #tpu.memory_space<vmem_shared>>)
    %mul3A_241 = arith.constant 632 : i32
    %mul3A_242 = arith.muli %arg1, %mul3A_241 : i32
    %dma_wait3A_243 = arith.constant 0 : i32
    %dma_wait3A_244 = tpu.memref_slice %arg5[%mul3A_242, %dma_wait3A_243] : memref<10112x128xf32, #tpu.memory_space<vmem_shared>> -> memref<40x128xf32, #tpu.memory_space<vmem_shared>>
    %dma_wait3A_245 = arith.constant 0 : i32
    %dma_wait3A_246 = tpu.memref_slice %arg5[%mul3A_242, %dma_wait3A_245] : memref<10112x128xf32, #tpu.memory_space<vmem_shared>> -> memref<40x128xf32, #tpu.memory_space<vmem_shared>>
    tpu.wait_dma2 semaphore(%arg40 : memref<!tpu.dma_semaphore, #tpu.memory_space<semaphore_mem>>) src(%arg21 : memref<40x128xf32, #tpu.memory_space<vmem>>) dst(%dma_wait3A_246 : memref<40x128xf32, #tpu.memory_space<vmem_shared>>)
    %mul3A_247 = arith.constant 632 : i32
    %mul3A_248 = arith.muli %arg1, %mul3A_247 : i32
    %dma_wait3A_249 = arith.constant 0 : i32
    %dma_wait3A_250 = tpu.memref_slice %arg5[%mul3A_248, %dma_wait3A_249] : memref<10112x128xf32, #tpu.memory_space<vmem_shared>> -> memref<40x128xf32, #tpu.memory_space<vmem_shared>>
    %dma_wait3A_251 = arith.constant 0 : i32
    %dma_wait3A_252 = tpu.memref_slice %arg5[%mul3A_248, %dma_wait3A_251] : memref<10112x128xf32, #tpu.memory_space<vmem_shared>> -> memref<40x128xf32, #tpu.memory_space<vmem_shared>>
    tpu.wait_dma2 semaphore(%arg40 : memref<!tpu.dma_semaphore, #tpu.memory_space<semaphore_mem>>) src(%arg21 : memref<40x128xf32, #tpu.memory_space<vmem>>) dst(%dma_wait3A_252 : memref<40x128xf32, #tpu.memory_space<vmem_shared>>)
    %mul3A_253 = arith.constant 632 : i32
    %mul3A_254 = arith.muli %arg1, %mul3A_253 : i32
    %dma_wait3A_255 = arith.constant 0 : i32
    %dma_wait3A_256 = tpu.memref_slice %arg5[%mul3A_254, %dma_wait3A_255] : memref<10112x128xf32, #tpu.memory_space<vmem_shared>> -> memref<40x128xf32, #tpu.memory_space<vmem_shared>>
    %dma_wait3A_257 = arith.constant 0 : i32
    %dma_wait3A_258 = tpu.memref_slice %arg5[%mul3A_254, %dma_wait3A_257] : memref<10112x128xf32, #tpu.memory_space<vmem_shared>> -> memref<40x128xf32, #tpu.memory_space<vmem_shared>>
    tpu.wait_dma2 semaphore(%arg40 : memref<!tpu.dma_semaphore, #tpu.memory_space<semaphore_mem>>) src(%arg21 : memref<40x128xf32, #tpu.memory_space<vmem>>) dst(%dma_wait3A_258 : memref<40x128xf32, #tpu.memory_space<vmem_shared>>)
    %mul3A_259 = arith.constant 632 : i32
    %mul3A_260 = arith.muli %arg1, %mul3A_259 : i32
    %dma_wait3A_261 = arith.constant 0 : i32
    %dma_wait3A_262 = tpu.memref_slice %arg5[%mul3A_260, %dma_wait3A_261] : memref<10112x128xf32, #tpu.memory_space<vmem_shared>> -> memref<40x128xf32, #tpu.memory_space<vmem_shared>>
    %dma_wait3A_263 = arith.constant 0 : i32
    %dma_wait3A_264 = tpu.memref_slice %arg5[%mul3A_260, %dma_wait3A_263] : memref<10112x128xf32, #tpu.memory_space<vmem_shared>> -> memref<40x128xf32, #tpu.memory_space<vmem_shared>>
    tpu.wait_dma2 semaphore(%arg40 : memref<!tpu.dma_semaphore, #tpu.memory_space<semaphore_mem>>) src(%arg21 : memref<40x128xf32, #tpu.memory_space<vmem>>) dst(%dma_wait3A_264 : memref<40x128xf32, #tpu.memory_space<vmem_shared>>)
    %mul3A_265 = arith.constant 632 : i32
    %mul3A_266 = arith.muli %arg1, %mul3A_265 : i32
    %dma_wait3A_267 = arith.constant 0 : i32
    %dma_wait3A_268 = tpu.memref_slice %arg5[%mul3A_266, %dma_wait3A_267] : memref<10112x128xf32, #tpu.memory_space<vmem_shared>> -> memref<40x128xf32, #tpu.memory_space<vmem_shared>>
    %dma_wait3A_269 = arith.constant 0 : i32
    %dma_wait3A_270 = tpu.memref_slice %arg5[%mul3A_266, %dma_wait3A_269] : memref<10112x128xf32, #tpu.memory_space<vmem_shared>> -> memref<40x128xf32, #tpu.memory_space<vmem_shared>>
    tpu.wait_dma2 semaphore(%arg40 : memref<!tpu.dma_semaphore, #tpu.memory_space<semaphore_mem>>) src(%arg21 : memref<40x128xf32, #tpu.memory_space<vmem>>) dst(%dma_wait3A_270 : memref<40x128xf32, #tpu.memory_space<vmem_shared>>)
    %mul3A_271 = arith.constant 632 : i32
    %mul3A_272 = arith.muli %arg1, %mul3A_271 : i32
    %dma_wait3A_273 = arith.constant 0 : i32
    %dma_wait3A_274 = tpu.memref_slice %arg5[%mul3A_272, %dma_wait3A_273] : memref<10112x128xf32, #tpu.memory_space<vmem_shared>> -> memref<40x128xf32, #tpu.memory_space<vmem_shared>>
    %dma_wait3A_275 = arith.constant 0 : i32
    %dma_wait3A_276 = tpu.memref_slice %arg5[%mul3A_272, %dma_wait3A_275] : memref<10112x128xf32, #tpu.memory_space<vmem_shared>> -> memref<40x128xf32, #tpu.memory_space<vmem_shared>>
    tpu.wait_dma2 semaphore(%arg40 : memref<!tpu.dma_semaphore, #tpu.memory_space<semaphore_mem>>) src(%arg21 : memref<40x128xf32, #tpu.memory_space<vmem>>) dst(%dma_wait3A_276 : memref<40x128xf32, #tpu.memory_space<vmem_shared>>)
    %mul3A_277 = arith.constant 632 : i32
    %mul3A_278 = arith.muli %arg1, %mul3A_277 : i32
    %dma_wait3A_279 = arith.constant 0 : i32
    %dma_wait3A_280 = tpu.memref_slice %arg5[%mul3A_278, %dma_wait3A_279] : memref<10112x128xf32, #tpu.memory_space<vmem_shared>> -> memref<40x128xf32, #tpu.memory_space<vmem_shared>>
    %dma_wait3A_281 = arith.constant 0 : i32
    %dma_wait3A_282 = tpu.memref_slice %arg5[%mul3A_278, %dma_wait3A_281] : memref<10112x128xf32, #tpu.memory_space<vmem_shared>> -> memref<40x128xf32, #tpu.memory_space<vmem_shared>>
    tpu.wait_dma2 semaphore(%arg40 : memref<!tpu.dma_semaphore, #tpu.memory_space<semaphore_mem>>) src(%arg21 : memref<40x128xf32, #tpu.memory_space<vmem>>) dst(%dma_wait3A_282 : memref<40x128xf32, #tpu.memory_space<vmem_shared>>)
    %mul3A_283 = arith.constant 632 : i32
    %mul3A_284 = arith.muli %arg1, %mul3A_283 : i32
    %dma_wait3A_285 = arith.constant 0 : i32
    %dma_wait3A_286 = arith.constant 0 : i32
    %dma_wait3A_287 = tpu.memref_slice %arg21[%dma_wait3A_285, %dma_wait3A_286] : memref<40x128xf32, #tpu.memory_space<vmem>> -> memref<32x128xf32, #tpu.memory_space<vmem>>
    %dma_wait3A_288 = arith.constant 0 : i32
    %dma_wait3A_289 = tpu.memref_slice %arg5[%mul3A_284, %dma_wait3A_288] : memref<10112x128xf32, #tpu.memory_space<vmem_shared>> -> memref<32x128xf32, #tpu.memory_space<vmem_shared>>
    %dma_wait3A_290 = arith.constant 0 : i32
    %dma_wait3A_291 = tpu.memref_slice %arg5[%mul3A_284, %dma_wait3A_290] : memref<10112x128xf32, #tpu.memory_space<vmem_shared>> -> memref<32x128xf32, #tpu.memory_space<vmem_shared>>
    %dma_wait3A_292 = arith.constant 0 : i32
    %dma_wait3A_293 = arith.constant 0 : i32
    %dma_wait3A_294 = tpu.memref_slice %arg21[%dma_wait3A_292, %dma_wait3A_293] : memref<40x128xf32, #tpu.memory_space<vmem>> -> memref<32x128xf32, #tpu.memory_space<vmem>>
    tpu.wait_dma2 semaphore(%arg40 : memref<!tpu.dma_semaphore, #tpu.memory_space<semaphore_mem>>) src(%dma_wait3A_294 : memref<32x128xf32, #tpu.memory_space<vmem>>) dst(%dma_wait3A_291 : memref<32x128xf32, #tpu.memory_space<vmem_shared>>)
    %barrier3A = arith.constant 0 : index
    tpu.barrier barrier_id(%barrier3A)
    %dma_wait3A_295 = arith.constant 0 : i32
    %dma_wait3A_296 = arith.constant 0 : i32
    %dma_wait3A_297 = tpu.memref_slice %arg2[%dma_wait3A_295, %dma_wait3A_296] : memref<10000x128xf32, #tpu.memory_space<hbm>> -> memref<10000x128xf32, #tpu.memory_space<hbm>>
    tpu.wait_indirect_dma semaphore(%arg22 : memref<!tpu.dma_semaphore, #tpu.memory_space<semaphore_mem>>) src(%dma_wait3A_297 : memref<10000x128xf32, #tpu.memory_space<hbm>>) dst(%arg18 : memref<80x128xf32, #tpu.memory_space<vmem>>)
    %dma_wait3A_298 = tpu.memref_slice %arg3[%add3A_6] : memref<640000xi32, #tpu.memory_space<hbm>> -> memref<80xi32, #tpu.memory_space<hbm>>
    %dma_wait3A_299 = tpu.memref_slice %arg3[%add3A_6] : memref<640000xi32, #tpu.memory_space<hbm>> -> memref<80xi32, #tpu.memory_space<hbm>>
    tpu.wait_dma2 semaphore(%arg34 : memref<!tpu.dma_semaphore, #tpu.memory_space<semaphore_mem>>) src(%dma_wait3A_299 : memref<80xi32, #tpu.memory_space<hbm>>) dst(%arg12 : memref<80xi32, #tpu.memory_space<vmem>>)
    %dma_start3A_300 = arith.constant 0 : i32
    %dma_start3A_301 = arith.constant 0 : i32
    %dma_start3A_302 = tpu.memref_slice %arg5[%dma_start3A_300, %dma_start3A_301] : memref<10112x128xf32, #tpu.memory_space<vmem_shared>> -> memref<10112x128xf32, #tpu.memory_space<vmem_shared>>
    tpu.enqueue_indirect_dma source(%arg18 : memref<80x128xf32, #tpu.memory_space<vmem>>) target(%dma_start3A_302 : memref<10112x128xf32, #tpu.memory_space<vmem_shared>>) offsets(%arg12 : memref<80xi32, #tpu.memory_space<vmem>>) semaphore(%arg25 : memref<!tpu.dma_semaphore, #tpu.memory_space<semaphore_mem>>) {add = true}
    %dma_wait3A_303 = arith.constant 0 : i32
    %dma_wait3A_304 = arith.constant 0 : i32
    %dma_wait3A_305 = tpu.memref_slice %arg5[%dma_wait3A_303, %dma_wait3A_304] : memref<10112x128xf32, #tpu.memory_space<vmem_shared>> -> memref<10112x128xf32, #tpu.memory_space<vmem_shared>>
    tpu.wait_indirect_dma semaphore(%arg25 : memref<!tpu.dma_semaphore, #tpu.memory_space<semaphore_mem>>) src(%arg18 : memref<80x128xf32, #tpu.memory_space<vmem>>) dst(%dma_wait3A_305 : memref<10112x128xf32, #tpu.memory_space<vmem_shared>>)
    %dma_wait3A_306 = tpu.memref_slice %arg3[%mul3A_2] : memref<640000xi32, #tpu.memory_space<hbm>> -> memref<80xi32, #tpu.memory_space<hbm>>
    %dma_wait3A_307 = tpu.memref_slice %arg3[%mul3A_2] : memref<640000xi32, #tpu.memory_space<hbm>> -> memref<80xi32, #tpu.memory_space<hbm>>
    tpu.wait_dma2 semaphore(%arg31 : memref<!tpu.dma_semaphore, #tpu.memory_space<semaphore_mem>>) src(%dma_wait3A_307 : memref<80xi32, #tpu.memory_space<hbm>>) dst(%arg9 : memref<80xi32, #tpu.memory_space<vmem>>)
    %dma_start3A_308 = arith.constant 0 : i32
    %dma_start3A_309 = arith.constant 0 : i32
    %dma_start3A_310 = tpu.memref_slice %arg2[%dma_start3A_308, %dma_start3A_309] : memref<10000x128xf32, #tpu.memory_space<hbm>> -> memref<10000x128xf32, #tpu.memory_space<hbm>>
    tpu.enqueue_indirect_dma source(%dma_start3A_310 : memref<10000x128xf32, #tpu.memory_space<hbm>>) target(%arg18 : memref<80x128xf32, #tpu.memory_space<vmem>>) offsets(%arg9 : memref<80xi32, #tpu.memory_space<vmem>>) semaphore(%arg22 : memref<!tpu.dma_semaphore, #tpu.memory_space<semaphore_mem>>)
    %add3A_311 = arith.constant 320 : i32
    %add3A_312 = arith.addi %mul3A_2, %add3A_311 : i32
    %dma_start3A_313 = tpu.memref_slice %arg3[%add3A_312] : memref<640000xi32, #tpu.memory_space<hbm>> -> memref<80xi32, #tpu.memory_space<hbm>>
    %dma_start3A_314 = tpu.memref_slice %arg3[%add3A_312] : memref<640000xi32, #tpu.memory_space<hbm>> -> memref<80xi32, #tpu.memory_space<hbm>>
    tpu.enqueue_dma source(%dma_start3A_314 : memref<80xi32, #tpu.memory_space<hbm>>) target(%arg10 : memref<80xi32, #tpu.memory_space<vmem>>) target_semaphore(%arg32 : memref<!tpu.dma_semaphore, #tpu.memory_space<semaphore_mem>>)
    %add3A_315 = arith.constant 320 : i32
    %add3A_316 = arith.addi %add3A_6, %add3A_315 : i32
    %dma_start3A_317 = tpu.memref_slice %arg3[%add3A_316] : memref<640000xi32, #tpu.memory_space<hbm>> -> memref<80xi32, #tpu.memory_space<hbm>>
    %dma_start3A_318 = tpu.memref_slice %arg3[%add3A_316] : memref<640000xi32, #tpu.memory_space<hbm>> -> memref<80xi32, #tpu.memory_space<hbm>>
    tpu.enqueue_dma source(%dma_start3A_318 : memref<80xi32, #tpu.memory_space<hbm>>) target(%arg16 : memref<80xi32, #tpu.memory_space<vmem>>) target_semaphore(%arg38 : memref<!tpu.dma_semaphore, #tpu.memory_space<semaphore_mem>>)
    %dma_wait3A_319 = arith.constant 0 : i32
    %dma_wait3A_320 = arith.constant 0 : i32
    %dma_wait3A_321 = tpu.memref_slice %arg2[%dma_wait3A_319, %dma_wait3A_320] : memref<10000x128xf32, #tpu.memory_space<hbm>> -> memref<10000x128xf32, #tpu.memory_space<hbm>>
    tpu.wait_indirect_dma semaphore(%arg23 : memref<!tpu.dma_semaphore, #tpu.memory_space<semaphore_mem>>) src(%dma_wait3A_321 : memref<10000x128xf32, #tpu.memory_space<hbm>>) dst(%arg19 : memref<80x128xf32, #tpu.memory_space<vmem>>)
    %dma_wait3A_322 = tpu.memref_slice %arg3[%add3A_6] : memref<640000xi32, #tpu.memory_space<hbm>> -> memref<80xi32, #tpu.memory_space<hbm>>
    %dma_wait3A_323 = tpu.memref_slice %arg3[%add3A_6] : memref<640000xi32, #tpu.memory_space<hbm>> -> memref<80xi32, #tpu.memory_space<hbm>>
    tpu.wait_dma2 semaphore(%arg35 : memref<!tpu.dma_semaphore, #tpu.memory_space<semaphore_mem>>) src(%dma_wait3A_323 : memref<80xi32, #tpu.memory_space<hbm>>) dst(%arg13 : memref<80xi32, #tpu.memory_space<vmem>>)
    %dma_start3A_324 = arith.constant 0 : i32
    %dma_start3A_325 = arith.constant 0 : i32
    %dma_start3A_326 = tpu.memref_slice %arg5[%dma_start3A_324, %dma_start3A_325] : memref<10112x128xf32, #tpu.memory_space<vmem_shared>> -> memref<10112x128xf32, #tpu.memory_space<vmem_shared>>
    tpu.enqueue_indirect_dma source(%arg19 : memref<80x128xf32, #tpu.memory_space<vmem>>) target(%dma_start3A_326 : memref<10112x128xf32, #tpu.memory_space<vmem_shared>>) offsets(%arg13 : memref<80xi32, #tpu.memory_space<vmem>>) semaphore(%arg26 : memref<!tpu.dma_semaphore, #tpu.memory_space<semaphore_mem>>) {add = true}
    %dma_wait3A_327 = arith.constant 0 : i32
    %dma_wait3A_328 = arith.constant 0 : i32
    %dma_wait3A_329 = tpu.memref_slice %arg5[%dma_wait3A_327, %dma_wait3A_328] : memref<10112x128xf32, #tpu.memory_space<vmem_shared>> -> memref<10112x128xf32, #tpu.memory_space<vmem_shared>>
    tpu.wait_indirect_dma semaphore(%arg26 : memref<!tpu.dma_semaphore, #tpu.memory_space<semaphore_mem>>) src(%arg19 : memref<80x128xf32, #tpu.memory_space<vmem>>) dst(%dma_wait3A_329 : memref<10112x128xf32, #tpu.memory_space<vmem_shared>>)
    %dma_wait3A_330 = tpu.memref_slice %arg3[%mul3A_2] : memref<640000xi32, #tpu.memory_space<hbm>> -> memref<80xi32, #tpu.memory_space<hbm>>
    %dma_wait3A_331 = tpu.memref_slice %arg3[%mul3A_2] : memref<640000xi32, #tpu.memory_space<hbm>> -> memref<80xi32, #tpu.memory_space<hbm>>
    tpu.wait_dma2 semaphore(%arg32 : memref<!tpu.dma_semaphore, #tpu.memory_space<semaphore_mem>>) src(%dma_wait3A_331 : memref<80xi32, #tpu.memory_space<hbm>>) dst(%arg10 : memref<80xi32, #tpu.memory_space<vmem>>)
    %dma_start3A_332 = arith.constant 0 : i32
    %dma_start3A_333 = arith.constant 0 : i32
    %dma_start3A_334 = tpu.memref_slice %arg2[%dma_start3A_332, %dma_start3A_333] : memref<10000x128xf32, #tpu.memory_space<hbm>> -> memref<10000x128xf32, #tpu.memory_space<hbm>>
    tpu.enqueue_indirect_dma source(%dma_start3A_334 : memref<10000x128xf32, #tpu.memory_space<hbm>>) target(%arg19 : memref<80x128xf32, #tpu.memory_space<vmem>>) offsets(%arg10 : memref<80xi32, #tpu.memory_space<vmem>>) semaphore(%arg23 : memref<!tpu.dma_semaphore, #tpu.memory_space<semaphore_mem>>)
    %add3A_335 = arith.constant 400 : i32
    %add3A_336 = arith.addi %mul3A_2, %add3A_335 : i32
    %dma_start3A_337 = tpu.memref_slice %arg3[%add3A_336] : memref<640000xi32, #tpu.memory_space<hbm>> -> memref<80xi32, #tpu.memory_space<hbm>>
    %dma_start3A_338 = tpu.memref_slice %arg3[%add3A_336] : memref<640000xi32, #tpu.memory_space<hbm>> -> memref<80xi32, #tpu.memory_space<hbm>>
    tpu.enqueue_dma source(%dma_start3A_338 : memref<80xi32, #tpu.memory_space<hbm>>) target(%arg11 : memref<80xi32, #tpu.memory_space<vmem>>) target_semaphore(%arg33 : memref<!tpu.dma_semaphore, #tpu.memory_space<semaphore_mem>>)
    %add3A_339 = arith.constant 400 : i32
    %add3A_340 = arith.addi %add3A_6, %add3A_339 : i32
    %dma_start3A_341 = tpu.memref_slice %arg3[%add3A_340] : memref<640000xi32, #tpu.memory_space<hbm>> -> memref<80xi32, #tpu.memory_space<hbm>>
    %dma_start3A_342 = tpu.memref_slice %arg3[%add3A_340] : memref<640000xi32, #tpu.memory_space<hbm>> -> memref<80xi32, #tpu.memory_space<hbm>>
    tpu.enqueue_dma source(%dma_start3A_342 : memref<80xi32, #tpu.memory_space<hbm>>) target(%arg17 : memref<80xi32, #tpu.memory_space<vmem>>) target_semaphore(%arg39 : memref<!tpu.dma_semaphore, #tpu.memory_space<semaphore_mem>>)
    %dma_wait3A_343 = arith.constant 0 : i32
    %dma_wait3A_344 = arith.constant 0 : i32
    %dma_wait3A_345 = tpu.memref_slice %arg2[%dma_wait3A_343, %dma_wait3A_344] : memref<10000x128xf32, #tpu.memory_space<hbm>> -> memref<10000x128xf32, #tpu.memory_space<hbm>>
    tpu.wait_indirect_dma semaphore(%arg24 : memref<!tpu.dma_semaphore, #tpu.memory_space<semaphore_mem>>) src(%dma_wait3A_345 : memref<10000x128xf32, #tpu.memory_space<hbm>>) dst(%arg20 : memref<80x128xf32, #tpu.memory_space<vmem>>)
    %dma_wait3A_346 = tpu.memref_slice %arg3[%add3A_6] : memref<640000xi32, #tpu.memory_space<hbm>> -> memref<80xi32, #tpu.memory_space<hbm>>
    %dma_wait3A_347 = tpu.memref_slice %arg3[%add3A_6] : memref<640000xi32, #tpu.memory_space<hbm>> -> memref<80xi32, #tpu.memory_space<hbm>>
    tpu.wait_dma2 semaphore(%arg36 : memref<!tpu.dma_semaphore, #tpu.memory_space<semaphore_mem>>) src(%dma_wait3A_347 : memref<80xi32, #tpu.memory_space<hbm>>) dst(%arg14 : memref<80xi32, #tpu.memory_space<vmem>>)
    %dma_start3A_348 = arith.constant 0 : i32
    %dma_start3A_349 = arith.constant 0 : i32
    %dma_start3A_350 = tpu.memref_slice %arg5[%dma_start3A_348, %dma_start3A_349] : memref<10112x128xf32, #tpu.memory_space<vmem_shared>> -> memref<10112x128xf32, #tpu.memory_space<vmem_shared>>
    tpu.enqueue_indirect_dma source(%arg20 : memref<80x128xf32, #tpu.memory_space<vmem>>) target(%dma_start3A_350 : memref<10112x128xf32, #tpu.memory_space<vmem_shared>>) offsets(%arg14 : memref<80xi32, #tpu.memory_space<vmem>>) semaphore(%arg27 : memref<!tpu.dma_semaphore, #tpu.memory_space<semaphore_mem>>) {add = true}
    %dma_wait3A_351 = arith.constant 0 : i32
    %dma_wait3A_352 = arith.constant 0 : i32
    %dma_wait3A_353 = tpu.memref_slice %arg5[%dma_wait3A_351, %dma_wait3A_352] : memref<10112x128xf32, #tpu.memory_space<vmem_shared>> -> memref<10112x128xf32, #tpu.memory_space<vmem_shared>>
    tpu.wait_indirect_dma semaphore(%arg27 : memref<!tpu.dma_semaphore, #tpu.memory_space<semaphore_mem>>) src(%arg20 : memref<80x128xf32, #tpu.memory_space<vmem>>) dst(%dma_wait3A_353 : memref<10112x128xf32, #tpu.memory_space<vmem_shared>>)
    %dma_wait3A_354 = tpu.memref_slice %arg3[%mul3A_2] : memref<640000xi32, #tpu.memory_space<hbm>> -> memref<80xi32, #tpu.memory_space<hbm>>
    %dma_wait3A_355 = tpu.memref_slice %arg3[%mul3A_2] : memref<640000xi32, #tpu.memory_space<hbm>> -> memref<80xi32, #tpu.memory_space<hbm>>
    tpu.wait_dma2 semaphore(%arg33 : memref<!tpu.dma_semaphore, #tpu.memory_space<semaphore_mem>>) src(%dma_wait3A_355 : memref<80xi32, #tpu.memory_space<hbm>>) dst(%arg11 : memref<80xi32, #tpu.memory_space<vmem>>)
    %dma_start3A_356 = arith.constant 0 : i32
    %dma_start3A_357 = arith.constant 0 : i32
    %dma_start3A_358 = tpu.memref_slice %arg2[%dma_start3A_356, %dma_start3A_357] : memref<10000x128xf32, #tpu.memory_space<hbm>> -> memref<10000x128xf32, #tpu.memory_space<hbm>>
    tpu.enqueue_indirect_dma source(%dma_start3A_358 : memref<10000x128xf32, #tpu.memory_space<hbm>>) target(%arg20 : memref<80x128xf32, #tpu.memory_space<vmem>>) offsets(%arg11 : memref<80xi32, #tpu.memory_space<vmem>>) semaphore(%arg24 : memref<!tpu.dma_semaphore, #tpu.memory_space<semaphore_mem>>)
    %add3A_359 = arith.constant 480 : i32
    %add3A_360 = arith.addi %mul3A_2, %add3A_359 : i32
    %dma_start3A_361 = tpu.memref_slice %arg3[%add3A_360] : memref<640000xi32, #tpu.memory_space<hbm>> -> memref<80xi32, #tpu.memory_space<hbm>>
    %dma_start3A_362 = tpu.memref_slice %arg3[%add3A_360] : memref<640000xi32, #tpu.memory_space<hbm>> -> memref<80xi32, #tpu.memory_space<hbm>>
    tpu.enqueue_dma source(%dma_start3A_362 : memref<80xi32, #tpu.memory_space<hbm>>) target(%arg6 : memref<80xi32, #tpu.memory_space<vmem>>) target_semaphore(%arg28 : memref<!tpu.dma_semaphore, #tpu.memory_space<semaphore_mem>>)
    %add3A_363 = arith.constant 480 : i32
    %add3A_364 = arith.addi %add3A_6, %add3A_363 : i32
    %dma_start3A_365 = tpu.memref_slice %arg3[%add3A_364] : memref<640000xi32, #tpu.memory_space<hbm>> -> memref<80xi32, #tpu.memory_space<hbm>>
    %dma_start3A_366 = tpu.memref_slice %arg3[%add3A_364] : memref<640000xi32, #tpu.memory_space<hbm>> -> memref<80xi32, #tpu.memory_space<hbm>>
    tpu.enqueue_dma source(%dma_start3A_366 : memref<80xi32, #tpu.memory_space<hbm>>) target(%arg12 : memref<80xi32, #tpu.memory_space<vmem>>) target_semaphore(%arg34 : memref<!tpu.dma_semaphore, #tpu.memory_space<semaphore_mem>>)
    %scan3A_367 = arith.constant 0 : i32
    %scan3A_368 = arith.constant 0 : i32
    %scan3A_369 = arith.constant 19 : i32
    %scan3A_370 = arith.addi %scan3A_368, %scan3A_369 : i32
    %scan3A_371 = arith.constant 1 : i32
    %scan3A_372 = scf.for %scan3A_527 = %scan3A_368 to %scan3A_370 step %scan3A_371 iter_args(%scan3A_528 = %scan3A_367) -> (i32)  : i32 {
      %mul3A_529 = arith.constant 6 : i32
      %mul3A_530 = arith.muli %scan3A_527, %mul3A_529 : i32
      %add3A_531 = arith.constant 3 : i32
      %add3A_532 = arith.addi %add3A_531, %mul3A_530 : i32
      %add3A_533 = arith.constant 0 : i32
      %add3A_534 = arith.addi %add3A_532, %add3A_533 : i32
      %dma_wait3A_535 = arith.constant 0 : i32
      %dma_wait3A_536 = arith.constant 0 : i32
      %dma_wait3A_537 = tpu.memref_slice %arg2[%dma_wait3A_535, %dma_wait3A_536] : memref<10000x128xf32, #tpu.memory_space<hbm>> -> memref<10000x128xf32, #tpu.memory_space<hbm>>
      tpu.wait_indirect_dma semaphore(%arg22 : memref<!tpu.dma_semaphore, #tpu.memory_space<semaphore_mem>>) src(%dma_wait3A_537 : memref<10000x128xf32, #tpu.memory_space<hbm>>) dst(%arg18 : memref<80x128xf32, #tpu.memory_space<vmem>>)
      %dma_wait3A_538 = tpu.memref_slice %arg3[%add3A_6] : memref<640000xi32, #tpu.memory_space<hbm>> -> memref<80xi32, #tpu.memory_space<hbm>>
      %dma_wait3A_539 = tpu.memref_slice %arg3[%add3A_6] : memref<640000xi32, #tpu.memory_space<hbm>> -> memref<80xi32, #tpu.memory_space<hbm>>
      tpu.wait_dma2 semaphore(%arg37 : memref<!tpu.dma_semaphore, #tpu.memory_space<semaphore_mem>>) src(%dma_wait3A_539 : memref<80xi32, #tpu.memory_space<hbm>>) dst(%arg15 : memref<80xi32, #tpu.memory_space<vmem>>)
      %dma_start3A_540 = arith.constant 0 : i32
      %dma_start3A_541 = arith.constant 0 : i32
      %dma_start3A_542 = tpu.memref_slice %arg5[%dma_start3A_540, %dma_start3A_541] : memref<10112x128xf32, #tpu.memory_space<vmem_shared>> -> memref<10112x128xf32, #tpu.memory_space<vmem_shared>>
      tpu.enqueue_indirect_dma source(%arg18 : memref<80x128xf32, #tpu.memory_space<vmem>>) target(%dma_start3A_542 : memref<10112x128xf32, #tpu.memory_space<vmem_shared>>) offsets(%arg15 : memref<80xi32, #tpu.memory_space<vmem>>) semaphore(%arg25 : memref<!tpu.dma_semaphore, #tpu.memory_space<semaphore_mem>>) {add = true}
      %dma_wait3A_543 = arith.constant 0 : i32
      %dma_wait3A_544 = arith.constant 0 : i32
      %dma_wait3A_545 = tpu.memref_slice %arg5[%dma_wait3A_543, %dma_wait3A_544] : memref<10112x128xf32, #tpu.memory_space<vmem_shared>> -> memref<10112x128xf32, #tpu.memory_space<vmem_shared>>
      tpu.wait_indirect_dma semaphore(%arg25 : memref<!tpu.dma_semaphore, #tpu.memory_space<semaphore_mem>>) src(%arg18 : memref<80x128xf32, #tpu.memory_space<vmem>>) dst(%dma_wait3A_545 : memref<10112x128xf32, #tpu.memory_space<vmem_shared>>)
      %dma_wait3A_546 = tpu.memref_slice %arg3[%mul3A_2] : memref<640000xi32, #tpu.memory_space<hbm>> -> memref<80xi32, #tpu.memory_space<hbm>>
      %dma_wait3A_547 = tpu.memref_slice %arg3[%mul3A_2] : memref<640000xi32, #tpu.memory_space<hbm>> -> memref<80xi32, #tpu.memory_space<hbm>>
      tpu.wait_dma2 semaphore(%arg28 : memref<!tpu.dma_semaphore, #tpu.memory_space<semaphore_mem>>) src(%dma_wait3A_547 : memref<80xi32, #tpu.memory_space<hbm>>) dst(%arg6 : memref<80xi32, #tpu.memory_space<vmem>>)
      %dma_start3A_548 = arith.constant 0 : i32
      %dma_start3A_549 = arith.constant 0 : i32
      %dma_start3A_550 = tpu.memref_slice %arg2[%dma_start3A_548, %dma_start3A_549] : memref<10000x128xf32, #tpu.memory_space<hbm>> -> memref<10000x128xf32, #tpu.memory_space<hbm>>
      tpu.enqueue_indirect_dma source(%dma_start3A_550 : memref<10000x128xf32, #tpu.memory_space<hbm>>) target(%arg18 : memref<80x128xf32, #tpu.memory_space<vmem>>) offsets(%arg6 : memref<80xi32, #tpu.memory_space<vmem>>) semaphore(%arg22 : memref<!tpu.dma_semaphore, #tpu.memory_space<semaphore_mem>>)
      %add3A_551 = arith.constant 4 : i32
      %add3A_552 = arith.addi %add3A_534, %add3A_551 : i32
      %mul3A_553 = arith.constant 80 : i32
      %mul3A_554 = arith.muli %add3A_552, %mul3A_553 : i32
      %add3A_555 = arith.addi %mul3A_2, %mul3A_554 : i32
      %dma_start3A_556 = tpu.memref_slice %arg3[%add3A_555] : memref<640000xi32, #tpu.memory_space<hbm>> -> memref<80xi32, #tpu.memory_space<hbm>>
      %dma_start3A_557 = tpu.memref_slice %arg3[%add3A_555] : memref<640000xi32, #tpu.memory_space<hbm>> -> memref<80xi32, #tpu.memory_space<hbm>>
      tpu.enqueue_dma source(%dma_start3A_557 : memref<80xi32, #tpu.memory_space<hbm>>) target(%arg7 : memref<80xi32, #tpu.memory_space<vmem>>) target_semaphore(%arg29 : memref<!tpu.dma_semaphore, #tpu.memory_space<semaphore_mem>>)
      %mul3A_558 = arith.constant 80 : i32
      %mul3A_559 = arith.muli %add3A_552, %mul3A_558 : i32
      %add3A_560 = arith.addi %add3A_6, %mul3A_559 : i32
      %dma_start3A_561 = tpu.memref_slice %arg3[%add3A_560] : memref<640000xi32, #tpu.memory_space<hbm>> -> memref<80xi32, #tpu.memory_space<hbm>>
      %dma_start3A_562 = tpu.memref_slice %arg3[%add3A_560] : memref<640000xi32, #tpu.memory_space<hbm>> -> memref<80xi32, #tpu.memory_space<hbm>>
      tpu.enqueue_dma source(%dma_start3A_562 : memref<80xi32, #tpu.memory_space<hbm>>) target(%arg13 : memref<80xi32, #tpu.memory_space<vmem>>) target_semaphore(%arg35 : memref<!tpu.dma_semaphore, #tpu.memory_space<semaphore_mem>>)
      %mul3A_563 = arith.constant 6 : i32
      %mul3A_564 = arith.muli %scan3A_527, %mul3A_563 : i32
      %add3A_565 = arith.constant 3 : i32
      %add3A_566 = arith.addi %add3A_565, %mul3A_564 : i32
      %add3A_567 = arith.constant 1 : i32
      %add3A_568 = arith.addi %add3A_566, %add3A_567 : i32
      %dma_wait3A_569 = arith.constant 0 : i32
      %dma_wait3A_570 = arith.constant 0 : i32
      %dma_wait3A_571 = tpu.memref_slice %arg2[%dma_wait3A_569, %dma_wait3A_570] : memref<10000x128xf32, #tpu.memory_space<hbm>> -> memref<10000x128xf32, #tpu.memory_space<hbm>>
      tpu.wait_indirect_dma semaphore(%arg23 : memref<!tpu.dma_semaphore, #tpu.memory_space<semaphore_mem>>) src(%dma_wait3A_571 : memref<10000x128xf32, #tpu.memory_space<hbm>>) dst(%arg19 : memref<80x128xf32, #tpu.memory_space<vmem>>)
      %dma_wait3A_572 = tpu.memref_slice %arg3[%add3A_6] : memref<640000xi32, #tpu.memory_space<hbm>> -> memref<80xi32, #tpu.memory_space<hbm>>
      %dma_wait3A_573 = tpu.memref_slice %arg3[%add3A_6] : memref<640000xi32, #tpu.memory_space<hbm>> -> memref<80xi32, #tpu.memory_space<hbm>>
      tpu.wait_dma2 semaphore(%arg38 : memref<!tpu.dma_semaphore, #tpu.memory_space<semaphore_mem>>) src(%dma_wait3A_573 : memref<80xi32, #tpu.memory_space<hbm>>) dst(%arg16 : memref<80xi32, #tpu.memory_space<vmem>>)
      %dma_start3A_574 = arith.constant 0 : i32
      %dma_start3A_575 = arith.constant 0 : i32
      %dma_start3A_576 = tpu.memref_slice %arg5[%dma_start3A_574, %dma_start3A_575] : memref<10112x128xf32, #tpu.memory_space<vmem_shared>> -> memref<10112x128xf32, #tpu.memory_space<vmem_shared>>
      tpu.enqueue_indirect_dma source(%arg19 : memref<80x128xf32, #tpu.memory_space<vmem>>) target(%dma_start3A_576 : memref<10112x128xf32, #tpu.memory_space<vmem_shared>>) offsets(%arg16 : memref<80xi32, #tpu.memory_space<vmem>>) semaphore(%arg26 : memref<!tpu.dma_semaphore, #tpu.memory_space<semaphore_mem>>) {add = true}
      %dma_wait3A_577 = arith.constant 0 : i32
      %dma_wait3A_578 = arith.constant 0 : i32
      %dma_wait3A_579 = tpu.memref_slice %arg5[%dma_wait3A_577, %dma_wait3A_578] : memref<10112x128xf32, #tpu.memory_space<vmem_shared>> -> memref<10112x128xf32, #tpu.memory_space<vmem_shared>>
      tpu.wait_indirect_dma semaphore(%arg26 : memref<!tpu.dma_semaphore, #tpu.memory_space<semaphore_mem>>) src(%arg19 : memref<80x128xf32, #tpu.memory_space<vmem>>) dst(%dma_wait3A_579 : memref<10112x128xf32, #tpu.memory_space<vmem_shared>>)
      %dma_wait3A_580 = tpu.memref_slice %arg3[%mul3A_2] : memref<640000xi32, #tpu.memory_space<hbm>> -> memref<80xi32, #tpu.memory_space<hbm>>
      %dma_wait3A_581 = tpu.memref_slice %arg3[%mul3A_2] : memref<640000xi32, #tpu.memory_space<hbm>> -> memref<80xi32, #tpu.memory_space<hbm>>
      tpu.wait_dma2 semaphore(%arg29 : memref<!tpu.dma_semaphore, #tpu.memory_space<semaphore_mem>>) src(%dma_wait3A_581 : memref<80xi32, #tpu.memory_space<hbm>>) dst(%arg7 : memref<80xi32, #tpu.memory_space<vmem>>)
      %dma_start3A_582 = arith.constant 0 : i32
      %dma_start3A_583 = arith.constant 0 : i32
      %dma_start3A_584 = tpu.memref_slice %arg2[%dma_start3A_582, %dma_start3A_583] : memref<10000x128xf32, #tpu.memory_space<hbm>> -> memref<10000x128xf32, #tpu.memory_space<hbm>>
      tpu.enqueue_indirect_dma source(%dma_start3A_584 : memref<10000x128xf32, #tpu.memory_space<hbm>>) target(%arg19 : memref<80x128xf32, #tpu.memory_space<vmem>>) offsets(%arg7 : memref<80xi32, #tpu.memory_space<vmem>>) semaphore(%arg23 : memref<!tpu.dma_semaphore, #tpu.memory_space<semaphore_mem>>)
      %add3A_585 = arith.constant 4 : i32
      %add3A_586 = arith.addi %add3A_568, %add3A_585 : i32
      %mul3A_587 = arith.constant 80 : i32
      %mul3A_588 = arith.muli %add3A_586, %mul3A_587 : i32
      %add3A_589 = arith.addi %mul3A_2, %mul3A_588 : i32
      %dma_start3A_590 = tpu.memref_slice %arg3[%add3A_589] : memref<640000xi32, #tpu.memory_space<hbm>> -> memref<80xi32, #tpu.memory_space<hbm>>
      %dma_start3A_591 = tpu.memref_slice %arg3[%add3A_589] : memref<640000xi32, #tpu.memory_space<hbm>> -> memref<80xi32, #tpu.memory_space<hbm>>
      tpu.enqueue_dma source(%dma_start3A_591 : memref<80xi32, #tpu.memory_space<hbm>>) target(%arg8 : memref<80xi32, #tpu.memory_space<vmem>>) target_semaphore(%arg30 : memref<!tpu.dma_semaphore, #tpu.memory_space<semaphore_mem>>)
      %mul3A_592 = arith.constant 80 : i32
      %mul3A_593 = arith.muli %add3A_586, %mul3A_592 : i32
      %add3A_594 = arith.addi %add3A_6, %mul3A_593 : i32
      %dma_start3A_595 = tpu.memref_slice %arg3[%add3A_594] : memref<640000xi32, #tpu.memory_space<hbm>> -> memref<80xi32, #tpu.memory_space<hbm>>
      %dma_start3A_596 = tpu.memref_slice %arg3[%add3A_594] : memref<640000xi32, #tpu.memory_space<hbm>> -> memref<80xi32, #tpu.memory_space<hbm>>
      tpu.enqueue_dma source(%dma_start3A_596 : memref<80xi32, #tpu.memory_space<hbm>>) target(%arg14 : memref<80xi32, #tpu.memory_space<vmem>>) target_semaphore(%arg36 : memref<!tpu.dma_semaphore, #tpu.memory_space<semaphore_mem>>)
      %mul3A_597 = arith.constant 6 : i32
      %mul3A_598 = arith.muli %scan3A_527, %mul3A_597 : i32
      %add3A_599 = arith.constant 3 : i32
      %add3A_600 = arith.addi %add3A_599, %mul3A_598 : i32
      %add3A_601 = arith.constant 2 : i32
      %add3A_602 = arith.addi %add3A_600, %add3A_601 : i32
      %dma_wait3A_603 = arith.constant 0 : i32
      %dma_wait3A_604 = arith.constant 0 : i32
      %dma_wait3A_605 = tpu.memref_slice %arg2[%dma_wait3A_603, %dma_wait3A_604] : memref<10000x128xf32, #tpu.memory_space<hbm>> -> memref<10000x128xf32, #tpu.memory_space<hbm>>
      tpu.wait_indirect_dma semaphore(%arg24 : memref<!tpu.dma_semaphore, #tpu.memory_space<semaphore_mem>>) src(%dma_wait3A_605 : memref<10000x128xf32, #tpu.memory_space<hbm>>) dst(%arg20 : memref<80x128xf32, #tpu.memory_space<vmem>>)
      %dma_wait3A_606 = tpu.memref_slice %arg3[%add3A_6] : memref<640000xi32, #tpu.memory_space<hbm>> -> memref<80xi32, #tpu.memory_space<hbm>>
      %dma_wait3A_607 = tpu.memref_slice %arg3[%add3A_6] : memref<640000xi32, #tpu.memory_space<hbm>> -> memref<80xi32, #tpu.memory_space<hbm>>
      tpu.wait_dma2 semaphore(%arg39 : memref<!tpu.dma_semaphore, #tpu.memory_space<semaphore_mem>>) src(%dma_wait3A_607 : memref<80xi32, #tpu.memory_space<hbm>>) dst(%arg17 : memref<80xi32, #tpu.memory_space<vmem>>)
      %dma_start3A_608 = arith.constant 0 : i32
      %dma_start3A_609 = arith.constant 0 : i32
      %dma_start3A_610 = tpu.memref_slice %arg5[%dma_start3A_608, %dma_start3A_609] : memref<10112x128xf32, #tpu.memory_space<vmem_shared>> -> memref<10112x128xf32, #tpu.memory_space<vmem_shared>>
      tpu.enqueue_indirect_dma source(%arg20 : memref<80x128xf32, #tpu.memory_space<vmem>>) target(%dma_start3A_610 : memref<10112x128xf32, #tpu.memory_space<vmem_shared>>) offsets(%arg17 : memref<80xi32, #tpu.memory_space<vmem>>) semaphore(%arg27 : memref<!tpu.dma_semaphore, #tpu.memory_space<semaphore_mem>>) {add = true}
      %dma_wait3A_611 = arith.constant 0 : i32
      %dma_wait3A_612 = arith.constant 0 : i32
      %dma_wait3A_613 = tpu.memref_slice %arg5[%dma_wait3A_611, %dma_wait3A_612] : memref<10112x128xf32, #tpu.memory_space<vmem_shared>> -> memref<10112x128xf32, #tpu.memory_space<vmem_shared>>
      tpu.wait_indirect_dma semaphore(%arg27 : memref<!tpu.dma_semaphore, #tpu.memory_space<semaphore_mem>>) src(%arg20 : memref<80x128xf32, #tpu.memory_space<vmem>>) dst(%dma_wait3A_613 : memref<10112x128xf32, #tpu.memory_space<vmem_shared>>)
      %dma_wait3A_614 = tpu.memref_slice %arg3[%mul3A_2] : memref<640000xi32, #tpu.memory_space<hbm>> -> memref<80xi32, #tpu.memory_space<hbm>>
      %dma_wait3A_615 = tpu.memref_slice %arg3[%mul3A_2] : memref<640000xi32, #tpu.memory_space<hbm>> -> memref<80xi32, #tpu.memory_space<hbm>>
      tpu.wait_dma2 semaphore(%arg30 : memref<!tpu.dma_semaphore, #tpu.memory_space<semaphore_mem>>) src(%dma_wait3A_615 : memref<80xi32, #tpu.memory_space<hbm>>) dst(%arg8 : memref<80xi32, #tpu.memory_space<vmem>>)
      %dma_start3A_616 = arith.constant 0 : i32
      %dma_start3A_617 = arith.constant 0 : i32
      %dma_start3A_618 = tpu.memref_slice %arg2[%dma_start3A_616, %dma_start3A_617] : memref<10000x128xf32, #tpu.memory_space<hbm>> -> memref<10000x128xf32, #tpu.memory_space<hbm>>
      tpu.enqueue_indirect_dma source(%dma_start3A_618 : memref<10000x128xf32, #tpu.memory_space<hbm>>) target(%arg20 : memref<80x128xf32, #tpu.memory_space<vmem>>) offsets(%arg8 : memref<80xi32, #tpu.memory_space<vmem>>) semaphore(%arg24 : memref<!tpu.dma_semaphore, #tpu.memory_space<semaphore_mem>>)
      %add3A_619 = arith.constant 4 : i32
      %add3A_620 = arith.addi %add3A_602, %add3A_619 : i32
      %mul3A_621 = arith.constant 80 : i32
      %mul3A_622 = arith.muli %add3A_620, %mul3A_621 : i32
      %add3A_623 = arith.addi %mul3A_2, %mul3A_622 : i32
      %dma_start3A_624 = tpu.memref_slice %arg3[%add3A_623] : memref<640000xi32, #tpu.memory_space<hbm>> -> memref<80xi32, #tpu.memory_space<hbm>>
      %dma_start3A_625 = tpu.memref_slice %arg3[%add3A_623] : memref<640000xi32, #tpu.memory_space<hbm>> -> memref<80xi32, #tpu.memory_space<hbm>>
      tpu.enqueue_dma source(%dma_start3A_625 : memref<80xi32, #tpu.memory_space<hbm>>) target(%arg9 : memref<80xi32, #tpu.memory_space<vmem>>) target_semaphore(%arg31 : memref<!tpu.dma_semaphore, #tpu.memory_space<semaphore_mem>>)
      %mul3A_626 = arith.constant 80 : i32
      %mul3A_627 = arith.muli %add3A_620, %mul3A_626 : i32
      %add3A_628 = arith.addi %add3A_6, %mul3A_627 : i32
      %dma_start3A_629 = tpu.memref_slice %arg3[%add3A_628] : memref<640000xi32, #tpu.memory_space<hbm>> -> memref<80xi32, #tpu.memory_space<hbm>>
      %dma_start3A_630 = tpu.memref_slice %arg3[%add3A_628] : memref<640000xi32, #tpu.memory_space<hbm>> -> memref<80xi32, #tpu.memory_space<hbm>>
      tpu.enqueue_dma source(%dma_start3A_630 : memref<80xi32, #tpu.memory_space<hbm>>) target(%arg15 : memref<80xi32, #tpu.memory_space<vmem>>) target_semaphore(%arg37 : memref<!tpu.dma_semaphore, #tpu.memory_space<semaphore_mem>>)
      %mul3A_631 = arith.constant 6 : i32
      %mul3A_632 = arith.muli %scan3A_527, %mul3A_631 : i32
      %add3A_633 = arith.constant 3 : i32
      %add3A_634 = arith.addi %add3A_633, %mul3A_632 : i32
      %add3A_635 = arith.constant 3 : i32
      %add3A_636 = arith.addi %add3A_634, %add3A_635 : i32
      %dma_wait3A_637 = arith.constant 0 : i32
      %dma_wait3A_638 = arith.constant 0 : i32
      %dma_wait3A_639 = tpu.memref_slice %arg2[%dma_wait3A_637, %dma_wait3A_638] : memref<10000x128xf32, #tpu.memory_space<hbm>> -> memref<10000x128xf32, #tpu.memory_space<hbm>>
      tpu.wait_indirect_dma semaphore(%arg22 : memref<!tpu.dma_semaphore, #tpu.memory_space<semaphore_mem>>) src(%dma_wait3A_639 : memref<10000x128xf32, #tpu.memory_space<hbm>>) dst(%arg18 : memref<80x128xf32, #tpu.memory_space<vmem>>)
      %dma_wait3A_640 = tpu.memref_slice %arg3[%add3A_6] : memref<640000xi32, #tpu.memory_space<hbm>> -> memref<80xi32, #tpu.memory_space<hbm>>
      %dma_wait3A_641 = tpu.memref_slice %arg3[%add3A_6] : memref<640000xi32, #tpu.memory_space<hbm>> -> memref<80xi32, #tpu.memory_space<hbm>>
      tpu.wait_dma2 semaphore(%arg34 : memref<!tpu.dma_semaphore, #tpu.memory_space<semaphore_mem>>) src(%dma_wait3A_641 : memref<80xi32, #tpu.memory_space<hbm>>) dst(%arg12 : memref<80xi32, #tpu.memory_space<vmem>>)
      %dma_start3A_642 = arith.constant 0 : i32
      %dma_start3A_643 = arith.constant 0 : i32
      %dma_start3A_644 = tpu.memref_slice %arg5[%dma_start3A_642, %dma_start3A_643] : memref<10112x128xf32, #tpu.memory_space<vmem_shared>> -> memref<10112x128xf32, #tpu.memory_space<vmem_shared>>
      tpu.enqueue_indirect_dma source(%arg18 : memref<80x128xf32, #tpu.memory_space<vmem>>) target(%dma_start3A_644 : memref<10112x128xf32, #tpu.memory_space<vmem_shared>>) offsets(%arg12 : memref<80xi32, #tpu.memory_space<vmem>>) semaphore(%arg25 : memref<!tpu.dma_semaphore, #tpu.memory_space<semaphore_mem>>) {add = true}
      %dma_wait3A_645 = arith.constant 0 : i32
      %dma_wait3A_646 = arith.constant 0 : i32
      %dma_wait3A_647 = tpu.memref_slice %arg5[%dma_wait3A_645, %dma_wait3A_646] : memref<10112x128xf32, #tpu.memory_space<vmem_shared>> -> memref<10112x128xf32, #tpu.memory_space<vmem_shared>>
      tpu.wait_indirect_dma semaphore(%arg25 : memref<!tpu.dma_semaphore, #tpu.memory_space<semaphore_mem>>) src(%arg18 : memref<80x128xf32, #tpu.memory_space<vmem>>) dst(%dma_wait3A_647 : memref<10112x128xf32, #tpu.memory_space<vmem_shared>>)
      %dma_wait3A_648 = tpu.memref_slice %arg3[%mul3A_2] : memref<640000xi32, #tpu.memory_space<hbm>> -> memref<80xi32, #tpu.memory_space<hbm>>
      %dma_wait3A_649 = tpu.memref_slice %arg3[%mul3A_2] : memref<640000xi32, #tpu.memory_space<hbm>> -> memref<80xi32, #tpu.memory_space<hbm>>
      tpu.wait_dma2 semaphore(%arg31 : memref<!tpu.dma_semaphore, #tpu.memory_space<semaphore_mem>>) src(%dma_wait3A_649 : memref<80xi32, #tpu.memory_space<hbm>>) dst(%arg9 : memref<80xi32, #tpu.memory_space<vmem>>)
      %dma_start3A_650 = arith.constant 0 : i32
      %dma_start3A_651 = arith.constant 0 : i32
      %dma_start3A_652 = tpu.memref_slice %arg2[%dma_start3A_650, %dma_start3A_651] : memref<10000x128xf32, #tpu.memory_space<hbm>> -> memref<10000x128xf32, #tpu.memory_space<hbm>>
      tpu.enqueue_indirect_dma source(%dma_start3A_652 : memref<10000x128xf32, #tpu.memory_space<hbm>>) target(%arg18 : memref<80x128xf32, #tpu.memory_space<vmem>>) offsets(%arg9 : memref<80xi32, #tpu.memory_space<vmem>>) semaphore(%arg22 : memref<!tpu.dma_semaphore, #tpu.memory_space<semaphore_mem>>)
      %add3A_653 = arith.constant 4 : i32
      %add3A_654 = arith.addi %add3A_636, %add3A_653 : i32
      %mul3A_655 = arith.constant 80 : i32
      %mul3A_656 = arith.muli %add3A_654, %mul3A_655 : i32
      %add3A_657 = arith.addi %mul3A_2, %mul3A_656 : i32
      %dma_start3A_658 = tpu.memref_slice %arg3[%add3A_657] : memref<640000xi32, #tpu.memory_space<hbm>> -> memref<80xi32, #tpu.memory_space<hbm>>
      %dma_start3A_659 = tpu.memref_slice %arg3[%add3A_657] : memref<640000xi32, #tpu.memory_space<hbm>> -> memref<80xi32, #tpu.memory_space<hbm>>
      tpu.enqueue_dma source(%dma_start3A_659 : memref<80xi32, #tpu.memory_space<hbm>>) target(%arg10 : memref<80xi32, #tpu.memory_space<vmem>>) target_semaphore(%arg32 : memref<!tpu.dma_semaphore, #tpu.memory_space<semaphore_mem>>)
      %mul3A_660 = arith.constant 80 : i32
      %mul3A_661 = arith.muli %add3A_654, %mul3A_660 : i32
      %add3A_662 = arith.addi %add3A_6, %mul3A_661 : i32
      %dma_start3A_663 = tpu.memref_slice %arg3[%add3A_662] : memref<640000xi32, #tpu.memory_space<hbm>> -> memref<80xi32, #tpu.memory_space<hbm>>
      %dma_start3A_664 = tpu.memref_slice %arg3[%add3A_662] : memref<640000xi32, #tpu.memory_space<hbm>> -> memref<80xi32, #tpu.memory_space<hbm>>
      tpu.enqueue_dma source(%dma_start3A_664 : memref<80xi32, #tpu.memory_space<hbm>>) target(%arg16 : memref<80xi32, #tpu.memory_space<vmem>>) target_semaphore(%arg38 : memref<!tpu.dma_semaphore, #tpu.memory_space<semaphore_mem>>)
      %mul3A_665 = arith.constant 6 : i32
      %mul3A_666 = arith.muli %scan3A_527, %mul3A_665 : i32
      %add3A_667 = arith.constant 3 : i32
      %add3A_668 = arith.addi %add3A_667, %mul3A_666 : i32
      %add3A_669 = arith.constant 4 : i32
      %add3A_670 = arith.addi %add3A_668, %add3A_669 : i32
      %dma_wait3A_671 = arith.constant 0 : i32
      %dma_wait3A_672 = arith.constant 0 : i32
      %dma_wait3A_673 = tpu.memref_slice %arg2[%dma_wait3A_671, %dma_wait3A_672] : memref<10000x128xf32, #tpu.memory_space<hbm>> -> memref<10000x128xf32, #tpu.memory_space<hbm>>
      tpu.wait_indirect_dma semaphore(%arg23 : memref<!tpu.dma_semaphore, #tpu.memory_space<semaphore_mem>>) src(%dma_wait3A_673 : memref<10000x128xf32, #tpu.memory_space<hbm>>) dst(%arg19 : memref<80x128xf32, #tpu.memory_space<vmem>>)
      %dma_wait3A_674 = tpu.memref_slice %arg3[%add3A_6] : memref<640000xi32, #tpu.memory_space<hbm>> -> memref<80xi32, #tpu.memory_space<hbm>>
      %dma_wait3A_675 = tpu.memref_slice %arg3[%add3A_6] : memref<640000xi32, #tpu.memory_space<hbm>> -> memref<80xi32, #tpu.memory_space<hbm>>
      tpu.wait_dma2 semaphore(%arg35 : memref<!tpu.dma_semaphore, #tpu.memory_space<semaphore_mem>>) src(%dma_wait3A_675 : memref<80xi32, #tpu.memory_space<hbm>>) dst(%arg13 : memref<80xi32, #tpu.memory_space<vmem>>)
      %dma_start3A_676 = arith.constant 0 : i32
      %dma_start3A_677 = arith.constant 0 : i32
      %dma_start3A_678 = tpu.memref_slice %arg5[%dma_start3A_676, %dma_start3A_677] : memref<10112x128xf32, #tpu.memory_space<vmem_shared>> -> memref<10112x128xf32, #tpu.memory_space<vmem_shared>>
      tpu.enqueue_indirect_dma source(%arg19 : memref<80x128xf32, #tpu.memory_space<vmem>>) target(%dma_start3A_678 : memref<10112x128xf32, #tpu.memory_space<vmem_shared>>) offsets(%arg13 : memref<80xi32, #tpu.memory_space<vmem>>) semaphore(%arg26 : memref<!tpu.dma_semaphore, #tpu.memory_space<semaphore_mem>>) {add = true}
      %dma_wait3A_679 = arith.constant 0 : i32
      %dma_wait3A_680 = arith.constant 0 : i32
      %dma_wait3A_681 = tpu.memref_slice %arg5[%dma_wait3A_679, %dma_wait3A_680] : memref<10112x128xf32, #tpu.memory_space<vmem_shared>> -> memref<10112x128xf32, #tpu.memory_space<vmem_shared>>
      tpu.wait_indirect_dma semaphore(%arg26 : memref<!tpu.dma_semaphore, #tpu.memory_space<semaphore_mem>>) src(%arg19 : memref<80x128xf32, #tpu.memory_space<vmem>>) dst(%dma_wait3A_681 : memref<10112x128xf32, #tpu.memory_space<vmem_shared>>)
      %dma_wait3A_682 = tpu.memref_slice %arg3[%mul3A_2] : memref<640000xi32, #tpu.memory_space<hbm>> -> memref<80xi32, #tpu.memory_space<hbm>>
      %dma_wait3A_683 = tpu.memref_slice %arg3[%mul3A_2] : memref<640000xi32, #tpu.memory_space<hbm>> -> memref<80xi32, #tpu.memory_space<hbm>>
      tpu.wait_dma2 semaphore(%arg32 : memref<!tpu.dma_semaphore, #tpu.memory_space<semaphore_mem>>) src(%dma_wait3A_683 : memref<80xi32, #tpu.memory_space<hbm>>) dst(%arg10 : memref<80xi32, #tpu.memory_space<vmem>>)
      %dma_start3A_684 = arith.constant 0 : i32
      %dma_start3A_685 = arith.constant 0 : i32
      %dma_start3A_686 = tpu.memref_slice %arg2[%dma_start3A_684, %dma_start3A_685] : memref<10000x128xf32, #tpu.memory_space<hbm>> -> memref<10000x128xf32, #tpu.memory_space<hbm>>
      tpu.enqueue_indirect_dma source(%dma_start3A_686 : memref<10000x128xf32, #tpu.memory_space<hbm>>) target(%arg19 : memref<80x128xf32, #tpu.memory_space<vmem>>) offsets(%arg10 : memref<80xi32, #tpu.memory_space<vmem>>) semaphore(%arg23 : memref<!tpu.dma_semaphore, #tpu.memory_space<semaphore_mem>>)
      %add3A_687 = arith.constant 4 : i32
      %add3A_688 = arith.addi %add3A_670, %add3A_687 : i32
      %mul3A_689 = arith.constant 80 : i32
      %mul3A_690 = arith.muli %add3A_688, %mul3A_689 : i32
      %add3A_691 = arith.addi %mul3A_2, %mul3A_690 : i32
      %dma_start3A_692 = tpu.memref_slice %arg3[%add3A_691] : memref<640000xi32, #tpu.memory_space<hbm>> -> memref<80xi32, #tpu.memory_space<hbm>>
      %dma_start3A_693 = tpu.memref_slice %arg3[%add3A_691] : memref<640000xi32, #tpu.memory_space<hbm>> -> memref<80xi32, #tpu.memory_space<hbm>>
      tpu.enqueue_dma source(%dma_start3A_693 : memref<80xi32, #tpu.memory_space<hbm>>) target(%arg11 : memref<80xi32, #tpu.memory_space<vmem>>) target_semaphore(%arg33 : memref<!tpu.dma_semaphore, #tpu.memory_space<semaphore_mem>>)
      %mul3A_694 = arith.constant 80 : i32
      %mul3A_695 = arith.muli %add3A_688, %mul3A_694 : i32
      %add3A_696 = arith.addi %add3A_6, %mul3A_695 : i32
      %dma_start3A_697 = tpu.memref_slice %arg3[%add3A_696] : memref<640000xi32, #tpu.memory_space<hbm>> -> memref<80xi32, #tpu.memory_space<hbm>>
      %dma_start3A_698 = tpu.memref_slice %arg3[%add3A_696] : memref<640000xi32, #tpu.memory_space<hbm>> -> memref<80xi32, #tpu.memory_space<hbm>>
      tpu.enqueue_dma source(%dma_start3A_698 : memref<80xi32, #tpu.memory_space<hbm>>) target(%arg17 : memref<80xi32, #tpu.memory_space<vmem>>) target_semaphore(%arg39 : memref<!tpu.dma_semaphore, #tpu.memory_space<semaphore_mem>>)
      %mul3A_699 = arith.constant 6 : i32
      %mul3A_700 = arith.muli %scan3A_527, %mul3A_699 : i32
      %add3A_701 = arith.constant 3 : i32
      %add3A_702 = arith.addi %add3A_701, %mul3A_700 : i32
      %add3A_703 = arith.constant 5 : i32
      %add3A_704 = arith.addi %add3A_702, %add3A_703 : i32
      %dma_wait3A_705 = arith.constant 0 : i32
      %dma_wait3A_706 = arith.constant 0 : i32
      %dma_wait3A_707 = tpu.memref_slice %arg2[%dma_wait3A_705, %dma_wait3A_706] : memref<10000x128xf32, #tpu.memory_space<hbm>> -> memref<10000x128xf32, #tpu.memory_space<hbm>>
      tpu.wait_indirect_dma semaphore(%arg24 : memref<!tpu.dma_semaphore, #tpu.memory_space<semaphore_mem>>) src(%dma_wait3A_707 : memref<10000x128xf32, #tpu.memory_space<hbm>>) dst(%arg20 : memref<80x128xf32, #tpu.memory_space<vmem>>)
      %dma_wait3A_708 = tpu.memref_slice %arg3[%add3A_6] : memref<640000xi32, #tpu.memory_space<hbm>> -> memref<80xi32, #tpu.memory_space<hbm>>
      %dma_wait3A_709 = tpu.memref_slice %arg3[%add3A_6] : memref<640000xi32, #tpu.memory_space<hbm>> -> memref<80xi32, #tpu.memory_space<hbm>>
      tpu.wait_dma2 semaphore(%arg36 : memref<!tpu.dma_semaphore, #tpu.memory_space<semaphore_mem>>) src(%dma_wait3A_709 : memref<80xi32, #tpu.memory_space<hbm>>) dst(%arg14 : memref<80xi32, #tpu.memory_space<vmem>>)
      %dma_start3A_710 = arith.constant 0 : i32
      %dma_start3A_711 = arith.constant 0 : i32
      %dma_start3A_712 = tpu.memref_slice %arg5[%dma_start3A_710, %dma_start3A_711] : memref<10112x128xf32, #tpu.memory_space<vmem_shared>> -> memref<10112x128xf32, #tpu.memory_space<vmem_shared>>
      tpu.enqueue_indirect_dma source(%arg20 : memref<80x128xf32, #tpu.memory_space<vmem>>) target(%dma_start3A_712 : memref<10112x128xf32, #tpu.memory_space<vmem_shared>>) offsets(%arg14 : memref<80xi32, #tpu.memory_space<vmem>>) semaphore(%arg27 : memref<!tpu.dma_semaphore, #tpu.memory_space<semaphore_mem>>) {add = true}
      %dma_wait3A_713 = arith.constant 0 : i32
      %dma_wait3A_714 = arith.constant 0 : i32
      %dma_wait3A_715 = tpu.memref_slice %arg5[%dma_wait3A_713, %dma_wait3A_714] : memref<10112x128xf32, #tpu.memory_space<vmem_shared>> -> memref<10112x128xf32, #tpu.memory_space<vmem_shared>>
      tpu.wait_indirect_dma semaphore(%arg27 : memref<!tpu.dma_semaphore, #tpu.memory_space<semaphore_mem>>) src(%arg20 : memref<80x128xf32, #tpu.memory_space<vmem>>) dst(%dma_wait3A_715 : memref<10112x128xf32, #tpu.memory_space<vmem_shared>>)
      %dma_wait3A_716 = tpu.memref_slice %arg3[%mul3A_2] : memref<640000xi32, #tpu.memory_space<hbm>> -> memref<80xi32, #tpu.memory_space<hbm>>
      %dma_wait3A_717 = tpu.memref_slice %arg3[%mul3A_2] : memref<640000xi32, #tpu.memory_space<hbm>> -> memref<80xi32, #tpu.memory_space<hbm>>
      tpu.wait_dma2 semaphore(%arg33 : memref<!tpu.dma_semaphore, #tpu.memory_space<semaphore_mem>>) src(%dma_wait3A_717 : memref<80xi32, #tpu.memory_space<hbm>>) dst(%arg11 : memref<80xi32, #tpu.memory_space<vmem>>)
      %dma_start3A_718 = arith.constant 0 : i32
      %dma_start3A_719 = arith.constant 0 : i32
      %dma_start3A_720 = tpu.memref_slice %arg2[%dma_start3A_718, %dma_start3A_719] : memref<10000x128xf32, #tpu.memory_space<hbm>> -> memref<10000x128xf32, #tpu.memory_space<hbm>>
      tpu.enqueue_indirect_dma source(%dma_start3A_720 : memref<10000x128xf32, #tpu.memory_space<hbm>>) target(%arg20 : memref<80x128xf32, #tpu.memory_space<vmem>>) offsets(%arg11 : memref<80xi32, #tpu.memory_space<vmem>>) semaphore(%arg24 : memref<!tpu.dma_semaphore, #tpu.memory_space<semaphore_mem>>)
      %add3A_721 = arith.constant 4 : i32
      %add3A_722 = arith.addi %add3A_704, %add3A_721 : i32
      %mul3A_723 = arith.constant 80 : i32
      %mul3A_724 = arith.muli %add3A_722, %mul3A_723 : i32
      %add3A_725 = arith.addi %mul3A_2, %mul3A_724 : i32
      %dma_start3A_726 = tpu.memref_slice %arg3[%add3A_725] : memref<640000xi32, #tpu.memory_space<hbm>> -> memref<80xi32, #tpu.memory_space<hbm>>
      %dma_start3A_727 = tpu.memref_slice %arg3[%add3A_725] : memref<640000xi32, #tpu.memory_space<hbm>> -> memref<80xi32, #tpu.memory_space<hbm>>
      tpu.enqueue_dma source(%dma_start3A_727 : memref<80xi32, #tpu.memory_space<hbm>>) target(%arg6 : memref<80xi32, #tpu.memory_space<vmem>>) target_semaphore(%arg28 : memref<!tpu.dma_semaphore, #tpu.memory_space<semaphore_mem>>)
      %mul3A_728 = arith.constant 80 : i32
      %mul3A_729 = arith.muli %add3A_722, %mul3A_728 : i32
      %add3A_730 = arith.addi %add3A_6, %mul3A_729 : i32
      %dma_start3A_731 = tpu.memref_slice %arg3[%add3A_730] : memref<640000xi32, #tpu.memory_space<hbm>> -> memref<80xi32, #tpu.memory_space<hbm>>
      %dma_start3A_732 = tpu.memref_slice %arg3[%add3A_730] : memref<640000xi32, #tpu.memory_space<hbm>> -> memref<80xi32, #tpu.memory_space<hbm>>
      tpu.enqueue_dma source(%dma_start3A_732 : memref<80xi32, #tpu.memory_space<hbm>>) target(%arg12 : memref<80xi32, #tpu.memory_space<vmem>>) target_semaphore(%arg34 : memref<!tpu.dma_semaphore, #tpu.memory_space<semaphore_mem>>)
      %scan3A_733 = arith.constant 0 : i32
      scf.yield %scan3A_733 : i32
    }
    %scan3A_373 = arith.constant 19 : i32
    %dma_wait3A_374 = arith.constant 0 : i32
    %dma_wait3A_375 = arith.constant 0 : i32
    %dma_wait3A_376 = tpu.memref_slice %arg2[%dma_wait3A_374, %dma_wait3A_375] : memref<10000x128xf32, #tpu.memory_space<hbm>> -> memref<10000x128xf32, #tpu.memory_space<hbm>>
    tpu.wait_indirect_dma semaphore(%arg22 : memref<!tpu.dma_semaphore, #tpu.memory_space<semaphore_mem>>) src(%dma_wait3A_376 : memref<10000x128xf32, #tpu.memory_space<hbm>>) dst(%arg18 : memref<80x128xf32, #tpu.memory_space<vmem>>)
    %dma_wait3A_377 = tpu.memref_slice %arg3[%add3A_6] : memref<640000xi32, #tpu.memory_space<hbm>> -> memref<80xi32, #tpu.memory_space<hbm>>
    %dma_wait3A_378 = tpu.memref_slice %arg3[%add3A_6] : memref<640000xi32, #tpu.memory_space<hbm>> -> memref<80xi32, #tpu.memory_space<hbm>>
    tpu.wait_dma2 semaphore(%arg37 : memref<!tpu.dma_semaphore, #tpu.memory_space<semaphore_mem>>) src(%dma_wait3A_378 : memref<80xi32, #tpu.memory_space<hbm>>) dst(%arg15 : memref<80xi32, #tpu.memory_space<vmem>>)
    %dma_start3A_379 = arith.constant 0 : i32
    %dma_start3A_380 = arith.constant 0 : i32
    %dma_start3A_381 = tpu.memref_slice %arg5[%dma_start3A_379, %dma_start3A_380] : memref<10112x128xf32, #tpu.memory_space<vmem_shared>> -> memref<10112x128xf32, #tpu.memory_space<vmem_shared>>
    tpu.enqueue_indirect_dma source(%arg18 : memref<80x128xf32, #tpu.memory_space<vmem>>) target(%dma_start3A_381 : memref<10112x128xf32, #tpu.memory_space<vmem_shared>>) offsets(%arg15 : memref<80xi32, #tpu.memory_space<vmem>>) semaphore(%arg25 : memref<!tpu.dma_semaphore, #tpu.memory_space<semaphore_mem>>) {add = true}
    %dma_wait3A_382 = arith.constant 0 : i32
    %dma_wait3A_383 = arith.constant 0 : i32
    %dma_wait3A_384 = tpu.memref_slice %arg5[%dma_wait3A_382, %dma_wait3A_383] : memref<10112x128xf32, #tpu.memory_space<vmem_shared>> -> memref<10112x128xf32, #tpu.memory_space<vmem_shared>>
    tpu.wait_indirect_dma semaphore(%arg25 : memref<!tpu.dma_semaphore, #tpu.memory_space<semaphore_mem>>) src(%arg18 : memref<80x128xf32, #tpu.memory_space<vmem>>) dst(%dma_wait3A_384 : memref<10112x128xf32, #tpu.memory_space<vmem_shared>>)
    %dma_wait3A_385 = tpu.memref_slice %arg3[%mul3A_2] : memref<640000xi32, #tpu.memory_space<hbm>> -> memref<80xi32, #tpu.memory_space<hbm>>
    %dma_wait3A_386 = tpu.memref_slice %arg3[%mul3A_2] : memref<640000xi32, #tpu.memory_space<hbm>> -> memref<80xi32, #tpu.memory_space<hbm>>
    tpu.wait_dma2 semaphore(%arg28 : memref<!tpu.dma_semaphore, #tpu.memory_space<semaphore_mem>>) src(%dma_wait3A_386 : memref<80xi32, #tpu.memory_space<hbm>>) dst(%arg6 : memref<80xi32, #tpu.memory_space<vmem>>)
    %dma_start3A_387 = arith.constant 0 : i32
    %dma_start3A_388 = arith.constant 0 : i32
    %dma_start3A_389 = tpu.memref_slice %arg2[%dma_start3A_387, %dma_start3A_388] : memref<10000x128xf32, #tpu.memory_space<hbm>> -> memref<10000x128xf32, #tpu.memory_space<hbm>>
    tpu.enqueue_indirect_dma source(%dma_start3A_389 : memref<10000x128xf32, #tpu.memory_space<hbm>>) target(%arg18 : memref<80x128xf32, #tpu.memory_space<vmem>>) offsets(%arg6 : memref<80xi32, #tpu.memory_space<vmem>>) semaphore(%arg22 : memref<!tpu.dma_semaphore, #tpu.memory_space<semaphore_mem>>)
    %add3A_390 = arith.constant 9680 : i32
    %add3A_391 = arith.addi %mul3A_2, %add3A_390 : i32
    %dma_start3A_392 = tpu.memref_slice %arg3[%add3A_391] : memref<640000xi32, #tpu.memory_space<hbm>> -> memref<80xi32, #tpu.memory_space<hbm>>
    %dma_start3A_393 = tpu.memref_slice %arg3[%add3A_391] : memref<640000xi32, #tpu.memory_space<hbm>> -> memref<80xi32, #tpu.memory_space<hbm>>
    tpu.enqueue_dma source(%dma_start3A_393 : memref<80xi32, #tpu.memory_space<hbm>>) target(%arg7 : memref<80xi32, #tpu.memory_space<vmem>>) target_semaphore(%arg29 : memref<!tpu.dma_semaphore, #tpu.memory_space<semaphore_mem>>)
    %add3A_394 = arith.constant 9680 : i32
    %add3A_395 = arith.addi %add3A_6, %add3A_394 : i32
    %dma_start3A_396 = tpu.memref_slice %arg3[%add3A_395] : memref<640000xi32, #tpu.memory_space<hbm>> -> memref<80xi32, #tpu.memory_space<hbm>>
    %dma_start3A_397 = tpu.memref_slice %arg3[%add3A_395] : memref<640000xi32, #tpu.memory_space<hbm>> -> memref<80xi32, #tpu.memory_space<hbm>>
    tpu.enqueue_dma source(%dma_start3A_397 : memref<80xi32, #tpu.memory_space<hbm>>) target(%arg13 : memref<80xi32, #tpu.memory_space<vmem>>) target_semaphore(%arg35 : memref<!tpu.dma_semaphore, #tpu.memory_space<semaphore_mem>>)
    %dma_wait3A_398 = arith.constant 0 : i32
    %dma_wait3A_399 = arith.constant 0 : i32
    %dma_wait3A_400 = tpu.memref_slice %arg2[%dma_wait3A_398, %dma_wait3A_399] : memref<10000x128xf32, #tpu.memory_space<hbm>> -> memref<10000x128xf32, #tpu.memory_space<hbm>>
    tpu.wait_indirect_dma semaphore(%arg23 : memref<!tpu.dma_semaphore, #tpu.memory_space<semaphore_mem>>) src(%dma_wait3A_400 : memref<10000x128xf32, #tpu.memory_space<hbm>>) dst(%arg19 : memref<80x128xf32, #tpu.memory_space<vmem>>)
    %dma_wait3A_401 = tpu.memref_slice %arg3[%add3A_6] : memref<640000xi32, #tpu.memory_space<hbm>> -> memref<80xi32, #tpu.memory_space<hbm>>
    %dma_wait3A_402 = tpu.memref_slice %arg3[%add3A_6] : memref<640000xi32, #tpu.memory_space<hbm>> -> memref<80xi32, #tpu.memory_space<hbm>>
    tpu.wait_dma2 semaphore(%arg38 : memref<!tpu.dma_semaphore, #tpu.memory_space<semaphore_mem>>) src(%dma_wait3A_402 : memref<80xi32, #tpu.memory_space<hbm>>) dst(%arg16 : memref<80xi32, #tpu.memory_space<vmem>>)
    %dma_start3A_403 = arith.constant 0 : i32
    %dma_start3A_404 = arith.constant 0 : i32
    %dma_start3A_405 = tpu.memref_slice %arg5[%dma_start3A_403, %dma_start3A_404] : memref<10112x128xf32, #tpu.memory_space<vmem_shared>> -> memref<10112x128xf32, #tpu.memory_space<vmem_shared>>
    tpu.enqueue_indirect_dma source(%arg19 : memref<80x128xf32, #tpu.memory_space<vmem>>) target(%dma_start3A_405 : memref<10112x128xf32, #tpu.memory_space<vmem_shared>>) offsets(%arg16 : memref<80xi32, #tpu.memory_space<vmem>>) semaphore(%arg26 : memref<!tpu.dma_semaphore, #tpu.memory_space<semaphore_mem>>) {add = true}
    %dma_wait3A_406 = arith.constant 0 : i32
    %dma_wait3A_407 = arith.constant 0 : i32
    %dma_wait3A_408 = tpu.memref_slice %arg5[%dma_wait3A_406, %dma_wait3A_407] : memref<10112x128xf32, #tpu.memory_space<vmem_shared>> -> memref<10112x128xf32, #tpu.memory_space<vmem_shared>>
    tpu.wait_indirect_dma semaphore(%arg26 : memref<!tpu.dma_semaphore, #tpu.memory_space<semaphore_mem>>) src(%arg19 : memref<80x128xf32, #tpu.memory_space<vmem>>) dst(%dma_wait3A_408 : memref<10112x128xf32, #tpu.memory_space<vmem_shared>>)
    %dma_wait3A_409 = tpu.memref_slice %arg3[%mul3A_2] : memref<640000xi32, #tpu.memory_space<hbm>> -> memref<80xi32, #tpu.memory_space<hbm>>
    %dma_wait3A_410 = tpu.memref_slice %arg3[%mul3A_2] : memref<640000xi32, #tpu.memory_space<hbm>> -> memref<80xi32, #tpu.memory_space<hbm>>
    tpu.wait_dma2 semaphore(%arg29 : memref<!tpu.dma_semaphore, #tpu.memory_space<semaphore_mem>>) src(%dma_wait3A_410 : memref<80xi32, #tpu.memory_space<hbm>>) dst(%arg7 : memref<80xi32, #tpu.memory_space<vmem>>)
    %dma_start3A_411 = arith.constant 0 : i32
    %dma_start3A_412 = arith.constant 0 : i32
    %dma_start3A_413 = tpu.memref_slice %arg2[%dma_start3A_411, %dma_start3A_412] : memref<10000x128xf32, #tpu.memory_space<hbm>> -> memref<10000x128xf32, #tpu.memory_space<hbm>>
    tpu.enqueue_indirect_dma source(%dma_start3A_413 : memref<10000x128xf32, #tpu.memory_space<hbm>>) target(%arg19 : memref<80x128xf32, #tpu.memory_space<vmem>>) offsets(%arg7 : memref<80xi32, #tpu.memory_space<vmem>>) semaphore(%arg23 : memref<!tpu.dma_semaphore, #tpu.memory_space<semaphore_mem>>)
    %add3A_414 = arith.constant 9760 : i32
    %add3A_415 = arith.addi %mul3A_2, %add3A_414 : i32
    %dma_start3A_416 = tpu.memref_slice %arg3[%add3A_415] : memref<640000xi32, #tpu.memory_space<hbm>> -> memref<80xi32, #tpu.memory_space<hbm>>
    %dma_start3A_417 = tpu.memref_slice %arg3[%add3A_415] : memref<640000xi32, #tpu.memory_space<hbm>> -> memref<80xi32, #tpu.memory_space<hbm>>
    tpu.enqueue_dma source(%dma_start3A_417 : memref<80xi32, #tpu.memory_space<hbm>>) target(%arg8 : memref<80xi32, #tpu.memory_space<vmem>>) target_semaphore(%arg30 : memref<!tpu.dma_semaphore, #tpu.memory_space<semaphore_mem>>)
    %add3A_418 = arith.constant 9760 : i32
    %add3A_419 = arith.addi %add3A_6, %add3A_418 : i32
    %dma_start3A_420 = tpu.memref_slice %arg3[%add3A_419] : memref<640000xi32, #tpu.memory_space<hbm>> -> memref<80xi32, #tpu.memory_space<hbm>>
    %dma_start3A_421 = tpu.memref_slice %arg3[%add3A_419] : memref<640000xi32, #tpu.memory_space<hbm>> -> memref<80xi32, #tpu.memory_space<hbm>>
    tpu.enqueue_dma source(%dma_start3A_421 : memref<80xi32, #tpu.memory_space<hbm>>) target(%arg14 : memref<80xi32, #tpu.memory_space<vmem>>) target_semaphore(%arg36 : memref<!tpu.dma_semaphore, #tpu.memory_space<semaphore_mem>>)
    %dma_wait3A_422 = arith.constant 0 : i32
    %dma_wait3A_423 = arith.constant 0 : i32
    %dma_wait3A_424 = tpu.memref_slice %arg2[%dma_wait3A_422, %dma_wait3A_423] : memref<10000x128xf32, #tpu.memory_space<hbm>> -> memref<10000x128xf32, #tpu.memory_space<hbm>>
    tpu.wait_indirect_dma semaphore(%arg24 : memref<!tpu.dma_semaphore, #tpu.memory_space<semaphore_mem>>) src(%dma_wait3A_424 : memref<10000x128xf32, #tpu.memory_space<hbm>>) dst(%arg20 : memref<80x128xf32, #tpu.memory_space<vmem>>)
    %dma_wait3A_425 = tpu.memref_slice %arg3[%add3A_6] : memref<640000xi32, #tpu.memory_space<hbm>> -> memref<80xi32, #tpu.memory_space<hbm>>
    %dma_wait3A_426 = tpu.memref_slice %arg3[%add3A_6] : memref<640000xi32, #tpu.memory_space<hbm>> -> memref<80xi32, #tpu.memory_space<hbm>>
    tpu.wait_dma2 semaphore(%arg39 : memref<!tpu.dma_semaphore, #tpu.memory_space<semaphore_mem>>) src(%dma_wait3A_426 : memref<80xi32, #tpu.memory_space<hbm>>) dst(%arg17 : memref<80xi32, #tpu.memory_space<vmem>>)
    %dma_start3A_427 = arith.constant 0 : i32
    %dma_start3A_428 = arith.constant 0 : i32
    %dma_start3A_429 = tpu.memref_slice %arg5[%dma_start3A_427, %dma_start3A_428] : memref<10112x128xf32, #tpu.memory_space<vmem_shared>> -> memref<10112x128xf32, #tpu.memory_space<vmem_shared>>
    tpu.enqueue_indirect_dma source(%arg20 : memref<80x128xf32, #tpu.memory_space<vmem>>) target(%dma_start3A_429 : memref<10112x128xf32, #tpu.memory_space<vmem_shared>>) offsets(%arg17 : memref<80xi32, #tpu.memory_space<vmem>>) semaphore(%arg27 : memref<!tpu.dma_semaphore, #tpu.memory_space<semaphore_mem>>) {add = true}
    %dma_wait3A_430 = arith.constant 0 : i32
    %dma_wait3A_431 = arith.constant 0 : i32
    %dma_wait3A_432 = tpu.memref_slice %arg5[%dma_wait3A_430, %dma_wait3A_431] : memref<10112x128xf32, #tpu.memory_space<vmem_shared>> -> memref<10112x128xf32, #tpu.memory_space<vmem_shared>>
    tpu.wait_indirect_dma semaphore(%arg27 : memref<!tpu.dma_semaphore, #tpu.memory_space<semaphore_mem>>) src(%arg20 : memref<80x128xf32, #tpu.memory_space<vmem>>) dst(%dma_wait3A_432 : memref<10112x128xf32, #tpu.memory_space<vmem_shared>>)
    %dma_wait3A_433 = tpu.memref_slice %arg3[%mul3A_2] : memref<640000xi32, #tpu.memory_space<hbm>> -> memref<80xi32, #tpu.memory_space<hbm>>
    %dma_wait3A_434 = tpu.memref_slice %arg3[%mul3A_2] : memref<640000xi32, #tpu.memory_space<hbm>> -> memref<80xi32, #tpu.memory_space<hbm>>
    tpu.wait_dma2 semaphore(%arg30 : memref<!tpu.dma_semaphore, #tpu.memory_space<semaphore_mem>>) src(%dma_wait3A_434 : memref<80xi32, #tpu.memory_space<hbm>>) dst(%arg8 : memref<80xi32, #tpu.memory_space<vmem>>)
    %dma_start3A_435 = arith.constant 0 : i32
    %dma_start3A_436 = arith.constant 0 : i32
    %dma_start3A_437 = tpu.memref_slice %arg2[%dma_start3A_435, %dma_start3A_436] : memref<10000x128xf32, #tpu.memory_space<hbm>> -> memref<10000x128xf32, #tpu.memory_space<hbm>>
    tpu.enqueue_indirect_dma source(%dma_start3A_437 : memref<10000x128xf32, #tpu.memory_space<hbm>>) target(%arg20 : memref<80x128xf32, #tpu.memory_space<vmem>>) offsets(%arg8 : memref<80xi32, #tpu.memory_space<vmem>>) semaphore(%arg24 : memref<!tpu.dma_semaphore, #tpu.memory_space<semaphore_mem>>)
    %add3A_438 = arith.constant 9840 : i32
    %add3A_439 = arith.addi %mul3A_2, %add3A_438 : i32
    %dma_start3A_440 = tpu.memref_slice %arg3[%add3A_439] : memref<640000xi32, #tpu.memory_space<hbm>> -> memref<80xi32, #tpu.memory_space<hbm>>
    %dma_start3A_441 = tpu.memref_slice %arg3[%add3A_439] : memref<640000xi32, #tpu.memory_space<hbm>> -> memref<80xi32, #tpu.memory_space<hbm>>
    tpu.enqueue_dma source(%dma_start3A_441 : memref<80xi32, #tpu.memory_space<hbm>>) target(%arg9 : memref<80xi32, #tpu.memory_space<vmem>>) target_semaphore(%arg31 : memref<!tpu.dma_semaphore, #tpu.memory_space<semaphore_mem>>)
    %add3A_442 = arith.constant 9840 : i32
    %add3A_443 = arith.addi %add3A_6, %add3A_442 : i32
    %dma_start3A_444 = tpu.memref_slice %arg3[%add3A_443] : memref<640000xi32, #tpu.memory_space<hbm>> -> memref<80xi32, #tpu.memory_space<hbm>>
    %dma_start3A_445 = tpu.memref_slice %arg3[%add3A_443] : memref<640000xi32, #tpu.memory_space<hbm>> -> memref<80xi32, #tpu.memory_space<hbm>>
    tpu.enqueue_dma source(%dma_start3A_445 : memref<80xi32, #tpu.memory_space<hbm>>) target(%arg15 : memref<80xi32, #tpu.memory_space<vmem>>) target_semaphore(%arg37 : memref<!tpu.dma_semaphore, #tpu.memory_space<semaphore_mem>>)
    %dma_wait3A_446 = arith.constant 0 : i32
    %dma_wait3A_447 = arith.constant 0 : i32
    %dma_wait3A_448 = tpu.memref_slice %arg2[%dma_wait3A_446, %dma_wait3A_447] : memref<10000x128xf32, #tpu.memory_space<hbm>> -> memref<10000x128xf32, #tpu.memory_space<hbm>>
    tpu.wait_indirect_dma semaphore(%arg22 : memref<!tpu.dma_semaphore, #tpu.memory_space<semaphore_mem>>) src(%dma_wait3A_448 : memref<10000x128xf32, #tpu.memory_space<hbm>>) dst(%arg18 : memref<80x128xf32, #tpu.memory_space<vmem>>)
    %dma_wait3A_449 = tpu.memref_slice %arg3[%add3A_6] : memref<640000xi32, #tpu.memory_space<hbm>> -> memref<80xi32, #tpu.memory_space<hbm>>
    %dma_wait3A_450 = tpu.memref_slice %arg3[%add3A_6] : memref<640000xi32, #tpu.memory_space<hbm>> -> memref<80xi32, #tpu.memory_space<hbm>>
    tpu.wait_dma2 semaphore(%arg34 : memref<!tpu.dma_semaphore, #tpu.memory_space<semaphore_mem>>) src(%dma_wait3A_450 : memref<80xi32, #tpu.memory_space<hbm>>) dst(%arg12 : memref<80xi32, #tpu.memory_space<vmem>>)
    %dma_start3A_451 = arith.constant 0 : i32
    %dma_start3A_452 = arith.constant 0 : i32
    %dma_start3A_453 = tpu.memref_slice %arg5[%dma_start3A_451, %dma_start3A_452] : memref<10112x128xf32, #tpu.memory_space<vmem_shared>> -> memref<10112x128xf32, #tpu.memory_space<vmem_shared>>
    tpu.enqueue_indirect_dma source(%arg18 : memref<80x128xf32, #tpu.memory_space<vmem>>) target(%dma_start3A_453 : memref<10112x128xf32, #tpu.memory_space<vmem_shared>>) offsets(%arg12 : memref<80xi32, #tpu.memory_space<vmem>>) semaphore(%arg25 : memref<!tpu.dma_semaphore, #tpu.memory_space<semaphore_mem>>) {add = true}
    %dma_wait3A_454 = arith.constant 0 : i32
    %dma_wait3A_455 = arith.constant 0 : i32
    %dma_wait3A_456 = tpu.memref_slice %arg5[%dma_wait3A_454, %dma_wait3A_455] : memref<10112x128xf32, #tpu.memory_space<vmem_shared>> -> memref<10112x128xf32, #tpu.memory_space<vmem_shared>>
    tpu.wait_indirect_dma semaphore(%arg25 : memref<!tpu.dma_semaphore, #tpu.memory_space<semaphore_mem>>) src(%arg18 : memref<80x128xf32, #tpu.memory_space<vmem>>) dst(%dma_wait3A_456 : memref<10112x128xf32, #tpu.memory_space<vmem_shared>>)
    %dma_wait3A_457 = tpu.memref_slice %arg3[%mul3A_2] : memref<640000xi32, #tpu.memory_space<hbm>> -> memref<80xi32, #tpu.memory_space<hbm>>
    %dma_wait3A_458 = tpu.memref_slice %arg3[%mul3A_2] : memref<640000xi32, #tpu.memory_space<hbm>> -> memref<80xi32, #tpu.memory_space<hbm>>
    tpu.wait_dma2 semaphore(%arg31 : memref<!tpu.dma_semaphore, #tpu.memory_space<semaphore_mem>>) src(%dma_wait3A_458 : memref<80xi32, #tpu.memory_space<hbm>>) dst(%arg9 : memref<80xi32, #tpu.memory_space<vmem>>)
    %dma_start3A_459 = arith.constant 0 : i32
    %dma_start3A_460 = arith.constant 0 : i32
    %dma_start3A_461 = tpu.memref_slice %arg2[%dma_start3A_459, %dma_start3A_460] : memref<10000x128xf32, #tpu.memory_space<hbm>> -> memref<10000x128xf32, #tpu.memory_space<hbm>>
    tpu.enqueue_indirect_dma source(%dma_start3A_461 : memref<10000x128xf32, #tpu.memory_space<hbm>>) target(%arg18 : memref<80x128xf32, #tpu.memory_space<vmem>>) offsets(%arg9 : memref<80xi32, #tpu.memory_space<vmem>>) semaphore(%arg22 : memref<!tpu.dma_semaphore, #tpu.memory_space<semaphore_mem>>)
    %add3A_462 = arith.constant 9920 : i32
    %add3A_463 = arith.addi %mul3A_2, %add3A_462 : i32
    %dma_start3A_464 = tpu.memref_slice %arg3[%add3A_463] : memref<640000xi32, #tpu.memory_space<hbm>> -> memref<80xi32, #tpu.memory_space<hbm>>
    %dma_start3A_465 = tpu.memref_slice %arg3[%add3A_463] : memref<640000xi32, #tpu.memory_space<hbm>> -> memref<80xi32, #tpu.memory_space<hbm>>
    tpu.enqueue_dma source(%dma_start3A_465 : memref<80xi32, #tpu.memory_space<hbm>>) target(%arg10 : memref<80xi32, #tpu.memory_space<vmem>>) target_semaphore(%arg32 : memref<!tpu.dma_semaphore, #tpu.memory_space<semaphore_mem>>)
    %add3A_466 = arith.constant 9920 : i32
    %add3A_467 = arith.addi %add3A_6, %add3A_466 : i32
    %dma_start3A_468 = tpu.memref_slice %arg3[%add3A_467] : memref<640000xi32, #tpu.memory_space<hbm>> -> memref<80xi32, #tpu.memory_space<hbm>>
    %dma_start3A_469 = tpu.memref_slice %arg3[%add3A_467] : memref<640000xi32, #tpu.memory_space<hbm>> -> memref<80xi32, #tpu.memory_space<hbm>>
    tpu.enqueue_dma source(%dma_start3A_469 : memref<80xi32, #tpu.memory_space<hbm>>) target(%arg16 : memref<80xi32, #tpu.memory_space<vmem>>) target_semaphore(%arg38 : memref<!tpu.dma_semaphore, #tpu.memory_space<semaphore_mem>>)
    %dma_wait3A_470 = arith.constant 0 : i32
    %dma_wait3A_471 = arith.constant 0 : i32
    %dma_wait3A_472 = tpu.memref_slice %arg2[%dma_wait3A_470, %dma_wait3A_471] : memref<10000x128xf32, #tpu.memory_space<hbm>> -> memref<10000x128xf32, #tpu.memory_space<hbm>>
    tpu.wait_indirect_dma semaphore(%arg23 : memref<!tpu.dma_semaphore, #tpu.memory_space<semaphore_mem>>) src(%dma_wait3A_472 : memref<10000x128xf32, #tpu.memory_space<hbm>>) dst(%arg19 : memref<80x128xf32, #tpu.memory_space<vmem>>)
    %dma_wait3A_473 = tpu.memref_slice %arg3[%add3A_6] : memref<640000xi32, #tpu.memory_space<hbm>> -> memref<80xi32, #tpu.memory_space<hbm>>
    %dma_wait3A_474 = tpu.memref_slice %arg3[%add3A_6] : memref<640000xi32, #tpu.memory_space<hbm>> -> memref<80xi32, #tpu.memory_space<hbm>>
    tpu.wait_dma2 semaphore(%arg35 : memref<!tpu.dma_semaphore, #tpu.memory_space<semaphore_mem>>) src(%dma_wait3A_474 : memref<80xi32, #tpu.memory_space<hbm>>) dst(%arg13 : memref<80xi32, #tpu.memory_space<vmem>>)
    %dma_start3A_475 = arith.constant 0 : i32
    %dma_start3A_476 = arith.constant 0 : i32
    %dma_start3A_477 = tpu.memref_slice %arg5[%dma_start3A_475, %dma_start3A_476] : memref<10112x128xf32, #tpu.memory_space<vmem_shared>> -> memref<10112x128xf32, #tpu.memory_space<vmem_shared>>
    tpu.enqueue_indirect_dma source(%arg19 : memref<80x128xf32, #tpu.memory_space<vmem>>) target(%dma_start3A_477 : memref<10112x128xf32, #tpu.memory_space<vmem_shared>>) offsets(%arg13 : memref<80xi32, #tpu.memory_space<vmem>>) semaphore(%arg26 : memref<!tpu.dma_semaphore, #tpu.memory_space<semaphore_mem>>) {add = true}
    %dma_wait3A_478 = arith.constant 0 : i32
    %dma_wait3A_479 = arith.constant 0 : i32
    %dma_wait3A_480 = tpu.memref_slice %arg5[%dma_wait3A_478, %dma_wait3A_479] : memref<10112x128xf32, #tpu.memory_space<vmem_shared>> -> memref<10112x128xf32, #tpu.memory_space<vmem_shared>>
    tpu.wait_indirect_dma semaphore(%arg26 : memref<!tpu.dma_semaphore, #tpu.memory_space<semaphore_mem>>) src(%arg19 : memref<80x128xf32, #tpu.memory_space<vmem>>) dst(%dma_wait3A_480 : memref<10112x128xf32, #tpu.memory_space<vmem_shared>>)
    %dma_wait3A_481 = tpu.memref_slice %arg3[%mul3A_2] : memref<640000xi32, #tpu.memory_space<hbm>> -> memref<80xi32, #tpu.memory_space<hbm>>
    %dma_wait3A_482 = tpu.memref_slice %arg3[%mul3A_2] : memref<640000xi32, #tpu.memory_space<hbm>> -> memref<80xi32, #tpu.memory_space<hbm>>
    tpu.wait_dma2 semaphore(%arg32 : memref<!tpu.dma_semaphore, #tpu.memory_space<semaphore_mem>>) src(%dma_wait3A_482 : memref<80xi32, #tpu.memory_space<hbm>>) dst(%arg10 : memref<80xi32, #tpu.memory_space<vmem>>)
    %dma_start3A_483 = arith.constant 0 : i32
    %dma_start3A_484 = arith.constant 0 : i32
    %dma_start3A_485 = tpu.memref_slice %arg2[%dma_start3A_483, %dma_start3A_484] : memref<10000x128xf32, #tpu.memory_space<hbm>> -> memref<10000x128xf32, #tpu.memory_space<hbm>>
    tpu.enqueue_indirect_dma source(%dma_start3A_485 : memref<10000x128xf32, #tpu.memory_space<hbm>>) target(%arg19 : memref<80x128xf32, #tpu.memory_space<vmem>>) offsets(%arg10 : memref<80xi32, #tpu.memory_space<vmem>>) semaphore(%arg23 : memref<!tpu.dma_semaphore, #tpu.memory_space<semaphore_mem>>)
    %dma_wait3A_486 = arith.constant 0 : i32
    %dma_wait3A_487 = arith.constant 0 : i32
    %dma_wait3A_488 = tpu.memref_slice %arg2[%dma_wait3A_486, %dma_wait3A_487] : memref<10000x128xf32, #tpu.memory_space<hbm>> -> memref<10000x128xf32, #tpu.memory_space<hbm>>
    tpu.wait_indirect_dma semaphore(%arg24 : memref<!tpu.dma_semaphore, #tpu.memory_space<semaphore_mem>>) src(%dma_wait3A_488 : memref<10000x128xf32, #tpu.memory_space<hbm>>) dst(%arg20 : memref<80x128xf32, #tpu.memory_space<vmem>>)
    %dma_wait3A_489 = tpu.memref_slice %arg3[%add3A_6] : memref<640000xi32, #tpu.memory_space<hbm>> -> memref<80xi32, #tpu.memory_space<hbm>>
    %dma_wait3A_490 = tpu.memref_slice %arg3[%add3A_6] : memref<640000xi32, #tpu.memory_space<hbm>> -> memref<80xi32, #tpu.memory_space<hbm>>
    tpu.wait_dma2 semaphore(%arg36 : memref<!tpu.dma_semaphore, #tpu.memory_space<semaphore_mem>>) src(%dma_wait3A_490 : memref<80xi32, #tpu.memory_space<hbm>>) dst(%arg14 : memref<80xi32, #tpu.memory_space<vmem>>)
    %dma_start3A_491 = arith.constant 0 : i32
    %dma_start3A_492 = arith.constant 0 : i32
    %dma_start3A_493 = tpu.memref_slice %arg5[%dma_start3A_491, %dma_start3A_492] : memref<10112x128xf32, #tpu.memory_space<vmem_shared>> -> memref<10112x128xf32, #tpu.memory_space<vmem_shared>>
    tpu.enqueue_indirect_dma source(%arg20 : memref<80x128xf32, #tpu.memory_space<vmem>>) target(%dma_start3A_493 : memref<10112x128xf32, #tpu.memory_space<vmem_shared>>) offsets(%arg14 : memref<80xi32, #tpu.memory_space<vmem>>) semaphore(%arg27 : memref<!tpu.dma_semaphore, #tpu.memory_space<semaphore_mem>>) {add = true}
    %dma_wait3A_494 = arith.constant 0 : i32
    %dma_wait3A_495 = arith.constant 0 : i32
    %dma_wait3A_496 = tpu.memref_slice %arg5[%dma_wait3A_494, %dma_wait3A_495] : memref<10112x128xf32, #tpu.memory_space<vmem_shared>> -> memref<10112x128xf32, #tpu.memory_space<vmem_shared>>
    tpu.wait_indirect_dma semaphore(%arg27 : memref<!tpu.dma_semaphore, #tpu.memory_space<semaphore_mem>>) src(%arg20 : memref<80x128xf32, #tpu.memory_space<vmem>>) dst(%dma_wait3A_496 : memref<10112x128xf32, #tpu.memory_space<vmem_shared>>)
    %dma_wait3A_497 = arith.constant 0 : i32
    %dma_wait3A_498 = arith.constant 0 : i32
    %dma_wait3A_499 = tpu.memref_slice %arg2[%dma_wait3A_497, %dma_wait3A_498] : memref<10000x128xf32, #tpu.memory_space<hbm>> -> memref<10000x128xf32, #tpu.memory_space<hbm>>
    tpu.wait_indirect_dma semaphore(%arg22 : memref<!tpu.dma_semaphore, #tpu.memory_space<semaphore_mem>>) src(%dma_wait3A_499 : memref<10000x128xf32, #tpu.memory_space<hbm>>) dst(%arg18 : memref<80x128xf32, #tpu.memory_space<vmem>>)
    %dma_wait3A_500 = tpu.memref_slice %arg3[%add3A_6] : memref<640000xi32, #tpu.memory_space<hbm>> -> memref<80xi32, #tpu.memory_space<hbm>>
    %dma_wait3A_501 = tpu.memref_slice %arg3[%add3A_6] : memref<640000xi32, #tpu.memory_space<hbm>> -> memref<80xi32, #tpu.memory_space<hbm>>
    tpu.wait_dma2 semaphore(%arg37 : memref<!tpu.dma_semaphore, #tpu.memory_space<semaphore_mem>>) src(%dma_wait3A_501 : memref<80xi32, #tpu.memory_space<hbm>>) dst(%arg15 : memref<80xi32, #tpu.memory_space<vmem>>)
    %dma_start3A_502 = arith.constant 0 : i32
    %dma_start3A_503 = arith.constant 0 : i32
    %dma_start3A_504 = tpu.memref_slice %arg5[%dma_start3A_502, %dma_start3A_503] : memref<10112x128xf32, #tpu.memory_space<vmem_shared>> -> memref<10112x128xf32, #tpu.memory_space<vmem_shared>>
    tpu.enqueue_indirect_dma source(%arg18 : memref<80x128xf32, #tpu.memory_space<vmem>>) target(%dma_start3A_504 : memref<10112x128xf32, #tpu.memory_space<vmem_shared>>) offsets(%arg15 : memref<80xi32, #tpu.memory_space<vmem>>) semaphore(%arg25 : memref<!tpu.dma_semaphore, #tpu.memory_space<semaphore_mem>>) {add = true}
    %dma_wait3A_505 = arith.constant 0 : i32
    %dma_wait3A_506 = arith.constant 0 : i32
    %dma_wait3A_507 = tpu.memref_slice %arg5[%dma_wait3A_505, %dma_wait3A_506] : memref<10112x128xf32, #tpu.memory_space<vmem_shared>> -> memref<10112x128xf32, #tpu.memory_space<vmem_shared>>
    tpu.wait_indirect_dma semaphore(%arg25 : memref<!tpu.dma_semaphore, #tpu.memory_space<semaphore_mem>>) src(%arg18 : memref<80x128xf32, #tpu.memory_space<vmem>>) dst(%dma_wait3A_507 : memref<10112x128xf32, #tpu.memory_space<vmem_shared>>)
    %dma_wait3A_508 = arith.constant 0 : i32
    %dma_wait3A_509 = arith.constant 0 : i32
    %dma_wait3A_510 = tpu.memref_slice %arg2[%dma_wait3A_508, %dma_wait3A_509] : memref<10000x128xf32, #tpu.memory_space<hbm>> -> memref<10000x128xf32, #tpu.memory_space<hbm>>
    tpu.wait_indirect_dma semaphore(%arg23 : memref<!tpu.dma_semaphore, #tpu.memory_space<semaphore_mem>>) src(%dma_wait3A_510 : memref<10000x128xf32, #tpu.memory_space<hbm>>) dst(%arg19 : memref<80x128xf32, #tpu.memory_space<vmem>>)
    %dma_wait3A_511 = tpu.memref_slice %arg3[%add3A_6] : memref<640000xi32, #tpu.memory_space<hbm>> -> memref<80xi32, #tpu.memory_space<hbm>>
    %dma_wait3A_512 = tpu.memref_slice %arg3[%add3A_6] : memref<640000xi32, #tpu.memory_space<hbm>> -> memref<80xi32, #tpu.memory_space<hbm>>
    tpu.wait_dma2 semaphore(%arg38 : memref<!tpu.dma_semaphore, #tpu.memory_space<semaphore_mem>>) src(%dma_wait3A_512 : memref<80xi32, #tpu.memory_space<hbm>>) dst(%arg16 : memref<80xi32, #tpu.memory_space<vmem>>)
    %dma_start3A_513 = arith.constant 0 : i32
    %dma_start3A_514 = arith.constant 0 : i32
    %dma_start3A_515 = tpu.memref_slice %arg5[%dma_start3A_513, %dma_start3A_514] : memref<10112x128xf32, #tpu.memory_space<vmem_shared>> -> memref<10112x128xf32, #tpu.memory_space<vmem_shared>>
    tpu.enqueue_indirect_dma source(%arg19 : memref<80x128xf32, #tpu.memory_space<vmem>>) target(%dma_start3A_515 : memref<10112x128xf32, #tpu.memory_space<vmem_shared>>) offsets(%arg16 : memref<80xi32, #tpu.memory_space<vmem>>) semaphore(%arg26 : memref<!tpu.dma_semaphore, #tpu.memory_space<semaphore_mem>>) {add = true}
    %dma_wait3A_516 = arith.constant 0 : i32
    %dma_wait3A_517 = arith.constant 0 : i32
    %dma_wait3A_518 = tpu.memref_slice %arg5[%dma_wait3A_516, %dma_wait3A_517] : memref<10112x128xf32, #tpu.memory_space<vmem_shared>> -> memref<10112x128xf32, #tpu.memory_space<vmem_shared>>
    tpu.wait_indirect_dma semaphore(%arg26 : memref<!tpu.dma_semaphore, #tpu.memory_space<semaphore_mem>>) src(%arg19 : memref<80x128xf32, #tpu.memory_space<vmem>>) dst(%dma_wait3A_518 : memref<10112x128xf32, #tpu.memory_space<vmem_shared>>)
    %barrier3A_519 = arith.constant 0 : index
    tpu.barrier barrier_id(%barrier3A_519)
    %mul3A_520 = arith.constant 632 : i32
    %mul3A_521 = arith.muli %arg1, %mul3A_520 : i32
    %mul3A_522 = arith.constant 10112 : i32
    %mul3A_523 = arith.muli %arg0, %mul3A_522 : i32
    %mul3A_524 = arith.constant 632 : i32
    %mul3A_525 = arith.muli %arg1, %mul3A_524 : i32
    %add3A_526 = arith.addi %mul3A_523, %mul3A_525 : i32
    "tpu.region"() ({
      %run_scoped3A = tpu.sem_alloc : memref<!tpu.dma_semaphore, #tpu.memory_space<semaphore_mem>>
      %dma_start3A_527 = arith.constant 0 : i32
      %dma_start3A_528 = tpu.memref_slice %arg4[%add3A_526, %dma_start3A_527] : memref<20224x128xf32, #tpu.memory_space<hbm>> -> memref<632x128xf32, #tpu.memory_space<hbm>>
      %dma_start3A_529 = arith.constant 0 : i32
      %dma_start3A_530 = tpu.memref_slice %arg5[%mul3A_521, %dma_start3A_529] : memref<10112x128xf32, #tpu.memory_space<vmem_shared>> -> memref<632x128xf32, #tpu.memory_space<vmem_shared>>
      tpu.enqueue_dma source(%dma_start3A_530 : memref<632x128xf32, #tpu.memory_space<vmem_shared>>) target(%dma_start3A_528 : memref<632x128xf32, #tpu.memory_space<hbm>>) target_semaphore(%run_scoped3A : memref<!tpu.dma_semaphore, #tpu.memory_space<semaphore_mem>>)
      %dma_wait3A_531 = arith.constant 0 : i32
      %dma_wait3A_532 = tpu.memref_slice %arg4[%add3A_526, %dma_wait3A_531] : memref<20224x128xf32, #tpu.memory_space<hbm>> -> memref<632x128xf32, #tpu.memory_space<hbm>>
      %dma_wait3A_533 = arith.constant 0 : i32
      %dma_wait3A_534 = tpu.memref_slice %arg5[%mul3A_521, %dma_wait3A_533] : memref<10112x128xf32, #tpu.memory_space<vmem_shared>> -> memref<632x128xf32, #tpu.memory_space<vmem_shared>>
      tpu.wait_dma2 semaphore(%run_scoped3A : memref<!tpu.dma_semaphore, #tpu.memory_space<semaphore_mem>>) src(%dma_wait3A_534 : memref<632x128xf32, #tpu.memory_space<vmem_shared>>) dst(%dma_wait3A_532 : memref<632x128xf32, #tpu.memory_space<hbm>>)
      tpu.yield
    }) : () -> ()
    return
  }
}

module attributes {stable_mosaic.version = 14 : i64} {
  func.func @body(%arg0: i32, %arg1: memref<2x2000x128xf32, #tpu.memory_space<vmem>>, %arg2: memref<128x128xf32, #tpu.memory_space<vmem>>, %arg3: memref<1x128xf32, #tpu.memory_space<vmem>>, %arg4: memref<2000x128xf32, #tpu.memory_space<vmem>>) attributes {dimension_semantics = [#tpu.dimension_semantics<arbitrary>], iteration_bounds = array<i64: 5>, scalar_prefetch = 0 : i64, scratch_operands = 0 : i64, tpu.core_type = #tpu.core_type<tc>, window_params = [{transform_indices = @transform_0, window_bounds = array<i64: 2, 2000, 128>}, {pipeline_mode = #tpu.pipeline_mode<synchronous>, transform_indices = @transform_1, window_bounds = array<i64: 128, 128>}, {pipeline_mode = #tpu.pipeline_mode<synchronous>, transform_indices = @transform_2, window_bounds = array<i64: 1, 128>}, {transform_indices = @transform_3, window_bounds = array<i64: 2000, 128>}]} {
    %get3A = arith.constant 0 : index
    %get3A_0 = arith.constant 0 : index
    %get3A_1 = arith.constant 0 : index
    %get3A_2 = vector.load %arg1[%get3A, %get3A_0, %get3A_1] : memref<2x2000x128xf32, #tpu.memory_space<vmem>>, vector<1x2000x128xf32>
    %get3A_3 = vector.shape_cast %get3A_2 : vector<1x2000x128xf32> to vector<2000x128xf32>
    %get3A_4 = arith.constant 1 : index
    %get3A_5 = arith.constant 0 : index
    %get3A_6 = arith.constant 0 : index
    %get3A_7 = vector.load %arg1[%get3A_4, %get3A_5, %get3A_6] : memref<2x2000x128xf32, #tpu.memory_space<vmem>>, vector<1x2000x128xf32>
    %get3A_8 = vector.shape_cast %get3A_7 : vector<1x2000x128xf32> to vector<2000x128xf32>
    %add3A = arith.addf %get3A_3, %get3A_8 : vector<2000x128xf32>
    %get3A_9 = arith.constant 0 : index
    %get3A_10 = arith.constant 0 : index
    %get3A_11 = vector.load %arg2[%get3A_9, %get3A_10] : memref<128x128xf32, #tpu.memory_space<vmem>>, vector<128x128xf32>
    %dot_general3A = arith.constant dense<0.000000e+00> : vector<2000x128xf32>
    %dot_general3A_12 = tpu.matmul %add3A, %get3A_11, %dot_general3A {dimension_numbers = #tpu.dot_dimension_numbers<[1], [0], [0], [1], [0, 0, 1, 1], [], []>, transpose_lhs_hint = false} : vector<2000x128xf32>, vector<128x128xf32>, vector<2000x128xf32> -> vector<2000x128xf32>
    %get3A_13 = arith.constant 0 : index
    %get3A_14 = arith.constant 0 : index
    %get3A_15 = vector.load %arg3[%get3A_13, %get3A_14] : memref<1x128xf32, #tpu.memory_space<vmem>>, vector<1x128xf32>
    %add3A_16 = vector.broadcast %get3A_15 : vector<1x128xf32> to vector<2000x128xf32>
    %add3A_17 = arith.addf %dot_general3A_12, %add3A_16 : vector<2000x128xf32>
    %swap3A = arith.constant 0 : index
    %swap3A_18 = arith.constant 0 : index
    %swap3A_19 = vector.load %arg4[%swap3A, %swap3A_18] : memref<2000x128xf32, #tpu.memory_space<vmem>>, vector<2000x128xf32>
    tpu.vector_store %arg4[%swap3A, %swap3A_18], %add3A_17 {strides = array<i32>} : memref<2000x128xf32, #tpu.memory_space<vmem>>, vector<2000x128xf32>,
    return
  }
  func.func @transform_0(%arg0: i32) -> (i32, i32, i32) {
    %c0_i32 = arith.constant 0 : i32
    %c0_i32_0 = arith.constant 0 : i32
    %c0_i32_1 = arith.constant 0 : i32
    return %c0_i32, %arg0, %c0_i32_0 : i32, i32, i32
  }
  func.func @transform_1(%arg0: i32) -> (i32, i32) {
    %c0_i32 = arith.constant 0 : i32
    %c0_i32_0 = arith.constant 0 : i32
    %c0_i32_1 = arith.constant 0 : i32
    return %c0_i32, %c0_i32_0 : i32, i32
  }
  func.func @transform_2(%arg0: i32) -> (i32, i32) {
    %c0_i32 = arith.constant 0 : i32
    %c0_i32_0 = arith.constant 0 : i32
    %c0_i32_1 = arith.constant 0 : i32
    return %c0_i32, %c0_i32_0 : i32, i32
  }
  func.func @transform_3(%arg0: i32) -> (i32, i32) {
    %c0_i32 = arith.constant 0 : i32
    %c0_i32_0 = arith.constant 0 : i32
    return %arg0, %c0_i32 : i32, i32
  }
}

</mosaic_0001>

<sc_bundles>
// kernel: kernel.4.cloned.1.call-start
scs
__scs_entry_jumppad:
0x0: {  	(pc) =	sbr.rel $0x88, $3  }
0x1: {  	(tag) =	ssettag $0x0;
	lr =	simm.s32 $0x1  }
0x2: {  	[smem:$0x3F9D] =	sst lr;
	_ =	strace $0xD0000000  }
0x3: {  	_ = 	snop  }
0x4: {  	_ = 	snop  }
0x5: {  	_ = 	snop  }
0x6: {  	_ = 	snop  }
0x7: {  	_ = 	snop  }
__scs_overlays_trampoline_lowered:
0x8: {  	[smem:$0x3FAC] =	sst s0  }
0x9: {  	[smem:$0x3FAD] =	sst s1  }
0xa: {  	[smem:$0x3FAE] =	sst s2  }
0xb: {  	[smem:$0x3FAF] =	sst s3  }
0xc: {  	[smem:$0x3FB0] =	sst s4  }
0xd: {  	[smem:$0x3FB1] =	sst s5  }
0xe: {  	[smem:$0x3FB2] =	sst s6  }
0xf: {  	[smem:$0x3FB3] =	sst s7  }
0x10: {  	[smem:$0x3FB4] =	sst s8  }
0x11: {  	[smem:$0x3FB5] =	sst s9;
	s0 =	simm.s32 @!p0 $0x0  }
0x12: {  	s1 =	sld [smem:$0x3F9B];
	s0 =	simm.s32 @p0 $0x1  }
0x13: {  	[smem:$0x3FB6] =	sst s0;
	s0 =	simm.s32 @!p1 $0x0  }
0x14: {  	s2 =	sld [smem:$0x3F9A];
	s0 =	simm.s32 @p1 $0x1  }
0x15: {  	[smem:$0x3FB7] =	sst s0;
	s0 =	simm.s32 @!p2 $0x0  }
0x16: {  	s3 =	sld [smem:$0x3FDB];
	s0 =	simm.s32 @p2 $0x1  }
0x17: {  	s4 =	simm.s32 $0x1BF5;
	[smem:$0x3FB9] =	sst s0  }
0x18: {  	s0 =	sld [smem:$0x3F9C];
	_ =	swait.ge [sflag:s4], $0x0  }
0x19: {  	s7 =	sld [smem:$0x3F9D]  }
0x1a: {  	s8 =	sadd.s32 $0xFFFFE003, lr  }
0x1b: {  	s9 =	sadd.s32 $0xFFFFFEF7, lr;
	s5 =	simm.s32 $0xFFFFFFFF;
	p2 =	slt.u32 s8, $0xFFFFF086  }
0x1c: {  	p1 =	slt.u32 s9, $0xF7A;
	s5 =	simm.s32 @!p2 $0x0  }
0x1d: {  	s5 =	simm.s32 @p1 $0x1;
	p0 =	seq.s32 s7, s2  }
0x1e: {  	s7 =	smul.u32 @!p0 $0xF7A, s2;
	p2 =	seq.s32 @!p0 s5, $0x0  }
0x1f: {  	s9 =	smul.u32 $0xF7A, s1;
	s8 =	simm.s32 @!p0 $0x1BF5;
	p2 =	por !p2, p0  }
0x20: {  	[sflag:s8] =	ssyncset.s32 @!p0 $0xFFFFF086;
	s6 =	sadd.s32 @!p0 s3, s7;
	s7 =	simm.s32 @!p0 $0x108  }
0x21: {  	s3 =	sadd.s32 s3, s9;
	s6 =	sadd.s32 @!p0 $0x88, s6;
	s7 =	simm.s32 @p2 $0x1082  }
0x22: {  	[simem:s7], [sflag:s8] =	dma.local @!p0 [hbm:s6], $0xF7A  }
0x23: {  	s9 =	sor.u32 $0xD0000000, s2;
	s6 =	simm.s32 $0x108;
	_ =	swait.ge @!p0 [sflag:s8], $0x0  }
0x24: {  	s3 =	sadd.s32 $0x88, s3;
	s6 =	simm.s32 @!p1 $0x1082;
	[sflag:s4] =	ssyncset.s32 $0xFFFFF086  }
0x25: {  	[simem:s6], [sflag:s4] =	dma.local [hbm:s3], $0xF7A  }
0x26: {  	[smem:$0x3F9D] =	sst s1;
	(tag) =	ssettag s2;
	_ =	strace s9  }
0x27: {  	s1 =	sld [smem:$0x3FAD]  }
0x28: {  	s2 =	sld [smem:$0x3FAE]  }
0x29: {  	s4 =	sld [smem:$0x3FB0]  }
0x2a: {  	p0 =	seq.s32 s5, $0x0;
	s5 =	sld [smem:$0x3FB1]  }
0x2b: {  	s6 =	sld [smem:$0x3FB2]  }
0x2c: {  	s7 =	sld [smem:$0x3FB3]  }
0x2d: {  	s3 =	simm.s32 $0x108;
	s8 =	sld [smem:$0x3FB4]  }
0x2e: {  	s3 =	simm.s32 @!p0 $0x1082;
	s9 =	sld [smem:$0x3FB5]  }
0x2f: {  	lr =	sadd.s32 s0, s3;
	s0 =	sld [smem:$0x3FAC]  }
0x30: {  	s3 =	sld [smem:$0x3FAF]  }
0x31: {  	[smem:$0x3FB8] =	sst s10  }
0x32: {  	s10 =	sld [smem:$0x3FB6];
	_ =	sdelay $0x3  }
0x33: {  	p0 =	seq.s32 s10, $0x1;
	s10 =	sld [smem:$0x3FB8];
	_ =	sdelay $0x3  }
0x34: {  	[smem:$0x3FB8] =	sst s10  }
0x35: {  	s10 =	sld [smem:$0x3FB7];
	_ =	sdelay $0x3  }
0x36: {  	p1 =	seq.s32 s10, $0x1;
	s10 =	sld [smem:$0x3FB8];
	_ =	sdelay $0x3  }
0x37: {  	[smem:$0x3FB8] =	sst s10  }
0x38: {  	s10 =	sld [smem:$0x3FB9]  }
0x39: {  	_ = 	snop;
	(pc) =	sbr.ind lr, $3  }
0x3a: {  	_ = 	snop  }
0x3b: {  	_ = 	snop  }
0x3c: {  	p2 =	seq.s32 s10, $0x1;
	s10 =	sld [smem:$0x3FB8]  }
0x3d: {  	_ =	shalt  }
0x3e: {  	_ =	shalt  }
0x3f: {  	_ =	shalt  }
0x40: {  	_ =	shalt  }
0x41: {  	_ =	shalt  }
0x42: {  	_ =	shalt  }
0x43: {  	_ =	shalt  }
0x44: {  	_ =	shalt  }
0x45: {  	_ =	shalt  }
0x46: {  	_ =	shalt  }
0x47: {  	_ =	shalt  }
0x48: {  	_ =	shalt  }
0x49: {  	_ =	shalt  }
0x4a: {  	_ =	shalt  }
0x4b: {  	_ =	shalt  }
0x4c: {  	_ =	shalt  }
0x4d: {  	_ =	shalt  }
0x4e: {  	_ =	shalt  }
0x4f: {  	_ =	shalt  }
0x50: {  	_ =	shalt  }
0x51: {  	_ =	shalt  }
0x52: {  	_ =	shalt  }
0x53: {  	_ =	shalt  }
0x54: {  	_ =	shalt  }
0x55: {  	_ =	shalt  }
0x56: {  	_ =	shalt  }
0x57: {  	_ =	shalt  }
0x58: {  	_ =	shalt  }
0x59: {  	_ =	shalt  }
0x5a: {  	_ =	shalt  }
0x5b: {  	_ =	shalt  }
0x5c: {  	_ =	shalt  }
0x5d: {  	_ =	shalt  }
0x5e: {  	_ =	shalt  }
0x5f: {  	_ =	shalt  }
0x60: {  	_ =	shalt  }
0x61: {  	_ =	shalt  }
0x62: {  	_ =	shalt  }
0x63: {  	_ =	shalt  }
0x64: {  	_ =	shalt  }
0x65: {  	_ =	shalt  }
0x66: {  	_ =	shalt  }
0x67: {  	_ =	shalt  }
0x68: {  	_ =	shalt  }
0x69: {  	_ =	shalt  }
0x6a: {  	_ =	shalt  }
0x6b: {  	_ =	shalt  }
0x6c: {  	_ =	shalt  }
0x6d: {  	_ =	shalt  }
0x6e: {  	_ =	shalt  }
0x6f: {  	_ =	shalt  }
0x70: {  	_ =	shalt  }
0x71: {  	_ =	shalt  }
0x72: {  	_ =	shalt  }
0x73: {  	_ =	shalt  }
0x74: {  	_ =	shalt  }
0x75: {  	_ =	shalt  }
0x76: {  	_ =	shalt  }
0x77: {  	_ =	shalt  }
0x78: {  	_ =	shalt  }
0x79: {  	_ =	shalt  }
0x7a: {  	_ =	shalt  }
0x7b: {  	_ =	shalt  }
0x7c: {  	_ =	shalt  }
0x7d: {  	_ =	shalt  }
0x7e: {  	_ =	shalt  }
0x7f: {  	_ =	shalt  }
0x80: {  	_ =	shalt  }
0x81: {  	_ =	shalt  }
0x82: {  	_ =	shalt  }
0x83: {  	_ =	shalt  }
0x84: {  	_ =	shalt  }
0x85: {  	_ =	shalt  }
0x86: {  	_ =	shalt  }
0x87: {  	_ =	shalt  }
.Lfunc_end0:
.L_simem_size_0:
called_computation_lowered:
.L_overlay_start_0:
0x88: {  	s2 =	sld [smem:$0x3FD9]  }
0x89: {  	s3 =	sld [smem:$0x3FFE];
	_ =	sdelay $0x1  }
0x8a: {  	s1 =	srdreg.scid  }
0x8b: {  	s0 =	sand.u32 $0x1, s1  }
0x8c: {  	s17 =	sshll.u32 s0, $0xA;
	s2 =	sadd.s32 s3, s2  }
0x8d: {  	s2 =	sadd.s32 s2, s17  }
0x8e: {  	[smem:$0x3FC4] =	sst s2  }
0x8f: {  	_ = 	snop  }
0x90: {  	s2 =	sld [smem:$0x3FC9]  }
0x91: {  	s18 =	sld [smem:$0x3FD0];
	(tm) =	ssettm $0x1  }
0x92: {  	s4 =	sld [smem:$0x3FFB];
	_ =	sdelay $0x3  }
0x93: {  	_ =	strace s4  }
0x94: {  	s4 =	sld [smem:$0x3FFC];
	_ =	sdelay $0x3  }
0x95: {  	_ =	strace s4  }
0x96: {  	s4 =	sld [smem:$0x3FFD];
	_ =	sdelay $0x3  }
0x97: {  	_ =	strace s4  }
0x98: {  	_ =	strace $0x8FFFFFFF  }
0x99: {  	s19 =	sld [smem:$0x3FDB];
	_ =	sdelay $0x1  }
0x9a: {  	s5 =	simm.s32 $_scs_section_size  }
0x9b: {  	s6 =	simm.s32 $_size__tile_overlayer_lowered;
	s7 =	simm.s32 $_tile_overlayer_lowered  }
0x9c: {  	s22 =	simm.s32 $0x1BFF;
	s21 =	sshll.u32 s7, $0x1;
	s4 =	sadd.s32 s5, s19  }
0x9d: {  	s8 =	simm.s32 $0x0;
	s20 =	sshll.u32 s6, $0x1;
	s6 =	sadd.s32 s21, s4  }
0x9e: {  	[timem:s8], [sflag:s22] =	dma.local [hbm:s6], s20  }
0x9f: {  	_ =	swait.ge [sflag:s22], s20  }
0xa0: {  	s5 =	ssub.s32 $0x0, s20;
	[sflag:s22] =	ssyncset.done $0x0  }
0xa1: {  	[sflag:s22] =	ssyncadd.s32 s5;
	_ =	sdelay $0x1  }
0xa2: {  	s23 =	simm.s32 $0x1B8B  }
0xa3: {  	_ =	swait.ge [sflag:s23], $0x1  }
0xa4: {  	[sflag:s23] =	ssyncset.done $0x0  }
0xa5: {  	s25 =	simm.s32 $0x1B8E;
	s24 =	sld [smem:$0x3FFE];
	[sflag:s23] =	ssyncadd.s32 $0xFFFFFFFF  }
0xa6: {  	s26 =	simm.s32 $execute0_lowered;
	[smem:$0x3FD2] =	sst s25  }
0xa7: {  	s6 =	sshll.u32 s26, $0x1;
	_ =	strace $0x80000046;
	[dreg:$0x1] =	wrdreg $0xFFFFFFFF  }
0xa8: {  	s28 =	simm.s32 $_size_execute0_lowered;
	s4 =	sadd.s32 s4, s6;
	[dreg:$0x0] =	wrdreg $0x0  }
0xa9: {  	s6 =	sshll.u32 s28, $0x1;
	[dreg:$0x2] =	wrdreg s4  }
0xaa: {  	[dreg:$0x3] =	wrdreg s6  }
0xab: {  	[dreg:$0x4] =	wrdreg $0xC0  }
0xac: {  	_ =	task [dreg:s8], $0x5FFFF  }
0xad: {  	[dreg:$0x1] =	wrdreg $0xFFFFFFFF  }
0xae: {  	[dreg:$0x0] =	wrdreg $0x60  }
0xaf: {  	[dreg:$0x2] =	wrdreg s2  }
0xb0: {  	[dreg:$0x3] =	wrdreg s18  }
0xb1: {  	[dreg:$0x4] =	wrdreg s24  }
0xb2: {  	[dreg:$0x5] =	wrdreg $0x0  }
0xb3: {  	[dreg:$0x6] =	wrdreg $0x9  }
0xb4: {  	_ =	task.clear_ibuf [dreg:s8], $0x7FFFF;
	_ =	strace $0x90000046  }
0xb5: {  	s29 =	simm.s32 $0x9;
	_ =	strace $0x80000048  }
0xb6: {  	_ =	swait.ge [sflag:s29], $0x1  }
0xb7: {  	[sflag:s29] =	ssyncadd.s32 $0xFFFFFFFF  }
0xb8: {  	_ =	strace $0x90000048  }
0xb9: {  	_ =	sfence  }
0xba: {  	s30 =	sld [smem:$0x0];
	_ =	sdelay $0x2  }
0xbb: {  	s31 =	sshll.u32 s1, $0xD;
	s1 =	sshrl.u32 s1, $0x2  }
0xbc: {  	s3 =	sand.u32 $0x4000, s31;
	s1 =	sadd.s32 s1, s30  }
0xbd: {  	s0 =	sor.u32 s3, s0;
	s1 =	sshll.u32 s1, $0x11  }
0xbe: {  	s0 =	sor.u32 s1, s0  }
0xbf: {  	s0 =	sadd.s32 $0x8F2B, s0  }
0xc0: {  	[sflag:s0] =	ssyncadd.remote.s32 $0x1  }
0xc1: {  	_ =	sfence.sel $0xFFFF  }
0xc2: {  	[dreg:$0x0] =	wrdreg $0xFFFFFFFF;
	(pc) =	sbr.abs _section_cstart, $3  }
0xc3: {  	[dreg:$0x1] =	wrdreg $0xFFFFFFFF  }
0xc4: {  	_ =	task.clear_ibuf [dreg:s8], $0x2FFFF;
	_ =	strace $0x9FFFFFFF  }
0xc5: {  	(tm) =	ssettm $0x7FFFFFFF  }
tec
execute0_lowered:
.L_overlay_start_1:
0x0: {  	(tag) =	ssettag $0x1  }
0x1: {  	s0 =	rddreg [dreg:$0x0]  }
0x2: {  	s1 =	rddreg [dreg:$0x1];
	s9 =	stileid.u32  }
0x3: {  	s4 =	srdreg.scid;
	s5 =	smul.u32 $0x2780, s9  }
0x4: {  	s2 =	rddreg [dreg:$0x2];
	s6 =	sand.u32 $0x1, s4;
	s12 =	smul.u32 $0x2710, s9  }
0x5: {  	s3 =	rddreg [dreg:$0x3];
	s4 =	simm.s32 $0x0;
	s8 =	smul.u32 $0x27800, s6  }
0x6: {  	s7 =	sshll.u32 s6, $0x4;
	s23 =	ssub.s32 $0x2, s6;
	s6 =	smul.u32 $0x27100, s6  }
0x7: {  	s25 =	smul.u32 $0x4F000, s9;
	s7 =	sor.u32 s9, s7;
	s24 =	sshrl.u32 s23, $0x1  }
0x8: {  	s7 =	smul.u32 $0x2710, s7;
	s5 =	sadd.s32 s5, s8;
	s6 =	sadd.s32 s12, s6  }
0x9: {  	s2 =	sadd.s32 s5, s2;
	s5 =	ssub.s32 s23, s24;
	s23 =	sadd.s32 $0x370, s6  }
0xa: {  	[smem:$0x7FF] =	sst s4;
	s7 =	sshrl.u32 s7, $0x3;
	s8 =	sshrl.u32 s23, $0x3  }
0xb: {  	s10 =	sadd.s32 s1, s7;
	s7 =	sshrl.u32 s25, $0x2;
	s25 =	sadd.s32 s8, s1  }
0xc: {  	_ =	strace $0x80000047;
	[dreg:$0x7] =	wrdreg s25  }
0xd: {  	s26 =	sadd.s32 $0x9C40, s10;
	[dreg:$0x11] =	wrdreg s10  }
0xe: {  	s30 =	sadd.s32 $0xA, s10;
	[dreg:$0x12] =	wrdreg s26  }
0xf: {  	s31 =	sadd.s32 $0x9C4A, s10;
	[dreg:$0x13] =	wrdreg s30  }
0x10: {  	s11 =	sadd.s32 $0x14, s10;
	[dreg:$0x14] =	wrdreg s31  }
0x11: {  	s13 =	sadd.s32 $0x9C54, s10;
	[dreg:$0x15] =	wrdreg s11  }
0x12: {  	s14 =	sadd.s32 $0x1E, s10;
	[dreg:$0x16] =	wrdreg s13  }
0x13: {  	s15 =	sadd.s32 $0x9C5E, s10;
	[dreg:$0x17] =	wrdreg s14  }
0x14: {  	[dreg:$0x18] =	wrdreg s15;
	s11 =	sadd.s32 s7, s3  }
0x15: {  	s7 =	sadd.s32 $0x1400, s11;
	[dreg:$0x19] =	wrdreg s11  }
0x16: {  	s16 =	sadd.s32 $0x2800, s11;
	[dreg:$0x1a] =	wrdreg s7  }
0x17: {  	s24 =	sadd.s32 $0x4E570, s6;
	s18 =	sadd.s32 $0x3C00, s11;
	[dreg:$0x1b] =	wrdreg s16  }
0x18: {  	s12 =	sadd.s32 $0x2D0, s6;
	s19 =	sadd.s32 $0x5000, s11;
	[dreg:$0x1c] =	wrdreg s18  }
0x19: {  	s26 =	sshrl.u32 s24, $0x3;
	s20 =	sadd.s32 $0x6400, s11;
	[dreg:$0x1d] =	wrdreg s19  }
0x1a: {  	s14 =	sshrl.u32 s12, $0x3;
	s30 =	sadd.s32 s26, s1;
	[dreg:$0x1e] =	wrdreg s20  }
0x1b: {  	s15 =	sadd.s32 s14, s1;
	[dreg:$0x8] =	wrdreg s30  }
0x1c: {  	s25 =	sadd.s32 $0x8C00, s11;
	[dreg:$0xb] =	wrdreg s15  }
0x1d: {  	s31 =	sadd.s32 $0x320, s6;
	s26 =	sadd.s32 $0xA000, s11;
	[smem:$0x7E5] =	sst s25  }
0x1e: {  	s8 =	sshrl.u32 s31, $0x3;
	s31 =	sadd.s32 $0xC800, s11;
	[smem:$0x7E6] =	sst s26  }
0x1f: {  	s12 =	sadd.s32 $0x10400, s11;
	[smem:$0x7E8] =	sst s31  }
0x20: {  	s28 =	simm.s32 $0x14080;
	s14 =	sadd.s32 $0x12C00, s11;
	[smem:$0x7ED] =	sst s12  }
0x21: {  	s29 =	simm.s32 $0x50;
	s19 =	sadd.s32 $0x7800, s11;
	[smem:$0x7EF] =	sst s14  }
0x22: {  	s17 =	sadd.s32 $0x3C0, s6;
	s30 =	sadd.s32 $0xB400, s11;
	[dreg:$0x1f] =	wrdreg s19  }
0x23: {  	s21 =	sadd.s32 $0x4E5C0, s6;
	s15 =	sadd.s32 $0x28, s10;
	[smem:$0x7E7] =	sst s30  }
0x24: {  	s9 =	sadd.s32 $0x4E520, s6;
	s25 =	sadd.s32 $0x4CE, s10;
	[smem:$0x7F0] =	sst s15  }
0x25: {  	s22 =	sshrl.u32 s21, $0x3;
	s26 =	sadd.s32 $0xA10E, s10;
	[smem:$0x7FA] =	sst s25  }
0x26: {  	s7 =	sshrl.u32 s17, $0x3;
	s31 =	sadd.s32 $0xA118, s10;
	[smem:$0x7FB] =	sst s26  }
0x27: {  	s16 =	sadd.s32 $0x4E4D0, s6;
	s7 =	sadd.s32 s7, s1;
	[smem:$0x7FD] =	sst s31  }
0x28: {  	s17 =	sshrl.u32 s16, $0x3;
	s16 =	sadd.s32 $0x9C68, s10;
	[dreg:$0x5] =	wrdreg s7  }
0x29: {  	s21 =	sadd.s32 $0x4E480, s6;
	s19 =	sadd.s32 $0x3C, s10;
	[smem:$0x7F1] =	sst s16  }
0x2a: {  	s23 =	sadd.s32 $0x230, s6;
	s30 =	sadd.s32 $0x4D8, s10;
	[smem:$0x7F4] =	sst s19  }
0x2b: {  	s18 =	sadd.s32 $0x280, s6;
	s7 =	sadd.s32 s22, s1;
	[smem:$0x7FC] =	sst s30  }
0x2c: {  	s22 =	sshrl.u32 s21, $0x3;
	s21 =	sadd.s32 $0x4BA, s10;
	[dreg:$0x6] =	wrdreg s7  }
0x2d: {  	s6 =	sadd.s32 $0x4E430, s6;
	s7 =	sadd.s32 s8, s1;
	[smem:$0x7F6] =	sst s21  }
0x2e: {  	s8 =	sshrl.u32 s9, $0x3;
	s9 =	sadd.s32 $0xF000, s11;
	[dreg:$0x9] =	wrdreg s7  }
0x2f: {  	s12 =	simm.s32 $0x19200;
	s13 =	sadd.s32 s8, s1;
	[smem:$0x7EC] =	sst s9  }
0x30: {  	s6 =	sshrl.u32 s6, $0x3;
	s7 =	sadd.s32 s17, s1;
	[dreg:$0xa] =	wrdreg s13  }
0x31: {  	s15 =	simm.s32 $0x13C80;
	s17 =	sadd.s32 $0x32, s10;
	[dreg:$0xc] =	wrdreg s7  }
0x32: {  	s8 =	sshrl.u32 s18, $0x3;
	s18 =	sadd.s32 $0x9C72, s10;
	[smem:$0x7F2] =	sst s17  }
0x33: {  	s25 =	simm.s32 $0x13F80;
	s20 =	sadd.s32 s8, s1;
	[smem:$0x7F3] =	sst s18  }
0x34: {  	s26 =	simm.s32 $0x13D00;
	s7 =	sadd.s32 s22, s1;
	[dreg:$0xd] =	wrdreg s20  }
0x35: {  	s16 =	simm.s32 $0x2;
	s13 =	sadd.s32 $0x11800, s11;
	[dreg:$0xe] =	wrdreg s7  }
0x36: {  	s21 =	simm.s32 $0x13E80;
	s22 =	sadd.s32 $0xA0FA, s10;
	[smem:$0x7EE] =	sst s13  }
0x37: {  	s8 =	sshrl.u32 s23, $0x3;
	s23 =	sadd.s32 $0x4C4, s10;
	[smem:$0x7F7] =	sst s22  }
0x38: {  	s9 =	simm.s32 $0x1;
	s24 =	sadd.s32 s8, s1;
	[smem:$0x7F8] =	sst s23  }
0x39: {  	s17 =	simm.s32 $0x16A00;
	s1 =	sadd.s32 s6, s1;
	[dreg:$0xf] =	wrdreg s24  }
0x3a: {  	s18 =	simm.s32 $0x5;
	s6 =	sadd.s32 $0xA00, s2;
	[dreg:$0x10] =	wrdreg s1  }
0x3b: {  	s7 =	smax.u32 s5, $0x1;
	s8 =	sadd.s32 $0xDC00, s11;
	[smem:$0x7E9] =	sst s6  }
0x3c: {  	s20 =	sadd.s32 $0x9C7C, s10;
	s2 =	simm.s32 $0x13F00;
	[smem:$0x7EA] =	sst s7  }
0x3d: {  	s13 =	simm.s32 $0x13D80;
	s11 =	simm.s32 $0x4;
	[smem:$0x7EB] =	sst s8  }
0x3e: {  	s22 =	simm.s32 $0x14180;
	s5 =	simm.s32 $0x0;
	[smem:$0x7F5] =	sst s20  }
0x3f: {  	s24 =	sadd.s32 $0xA104, s10;
	s1 =	simm.s32 $0x13C00;
	s7 =	simm.s32 $0x14000  }
0x40: {  	v0 =	vimm.f32 $0.0e+00;
	s8 =	simm.s32 $0x3;
	s20 =	simm.s32 $0x6;
	[smem:$0x7F9] =	sst s24  }
.LBB2_1:
0x41: {  	[smem:$0x7E4] =	sst s5  }
0x42: {  	s14 =	rddreg [dreg:$0x11]  }
0x43: {  	[tilespmem:s1], [sflag:$0x7] =	stream.linear.gather [hbm4b:s14+s4], $0x50, $0x38;
	[tilespmem:$0x1CE00] =	vst v63  }
0x44: {  	s6 =	rddreg [dreg:$0x12]  }
0x45: {  	[tilespmem:s2], [sflag:$0xD] =	stream.linear.gather [hbm4b:s6+s4], $0x50, $0x38;
	[tilespmem:$0x1CE00] =	vst v63  }
0x46: {  	s10 =	rddreg [dreg:$0x13]  }
0x47: {  	[tilespmem:s15], [sflag:$0x8] =	stream.linear.gather [hbm4b:s10+s4], $0x50, $0x38;
	[tilespmem:$0x1CE00] =	vst v63  }
0x48: {  	s19 =	rddreg [dreg:$0x14]  }
0x49: {  	[tilespmem:s25], [sflag:$0xE] =	stream.linear.gather [hbm4b:s19+s4], $0x50, $0x38;
	[tilespmem:$0x1CE00] =	vst v63  }
0x4a: {  	s23 =	rddreg [dreg:$0x15]  }
0x4b: {  	[tilespmem:s26], [sflag:$0x9] =	stream.linear.gather [hbm4b:s23+s4], $0x50, $0x38;
	[tilespmem:$0x1CE00] =	vst v63  }
0x4c: {  	s24 =	rddreg [dreg:$0x16];
	s30 =	sand.u32 $0x7E00, s4  }
0x4d: {  	[tilespmem:s7], [sflag:$0xF] =	stream.linear.gather [hbm4b:s24+s4], $0x50, $0x38;
	[tilespmem:$0x1CE00] =	vst v63  }
0x4e: {  	s31 =	sand.u32 $0x70, s4;
	s14 =	sshrl.u32 s30, $0x2;
	s25 =	rddreg [dreg:$0x17]  }
0x4f: {  	[tilespmem:s13], [sflag:$0xA] =	stream.linear.gather [hbm4b:s25+s4], $0x50, $0x38;
	[tilespmem:$0x1CE00] =	vst v63  }
0x50: {  	s14 =	sor.u32 s31, s14;
	s26 =	rddreg [dreg:$0x18]  }
0x51: {  	[tilespmem:s28], [sflag:$0x10] =	stream.linear.gather [hbm4b:s26+s4], $0x50, $0x38;
	[tilespmem:$0x1CE00] =	vst v63  }
0x52: {  	s7 =	simm.s32 $0x13D80;
	s25 =	simm.s32 $0x40;
	s26 =	simm.s32 $0x0  }
.LBB2_2:
0x53: {  	p0 =	sne.s32 s25, $0x4FC0  }
0x54: {  	[tilespmem:s14+$0x1BA00] =	vst v0;
	s26 =	sadd.s32 $0x10, s26;
	s14 =	smov.u32 s25;
	s25 =	sadd.s32 $0x40, s25  }
.Ltmp0:
0x55: {  	(pc) =	sbr.rel @p0 .LBB2_2-.Ltmp0, $4  }
0x56: {  	_ = 	snop  }
0x57: {  	s14 =	sand.u32 $0x7E00, s14  }
0x58: {  	s15 =	sand.u32 $0x70, s26;
	s14 =	sshrl.u32 s14, $0x2  }
0x59: {  	s14 =	sor.u32 s15, s14  }
0x5a: {  	[tilespmem:s14+$0x1BA00] =	vst v0;
	s31 =	simm.s32 $0x7  }
0x5b: {  	_ =	swait.ge [sflag:s31], $0x50  }
0x5c: {  	s2 =	simm.s32 $0x13C00;
	[sflag:s31] =	ssyncset.done $0x0  }
0x5d: {  	s30 =	simm.s32 $0x14200;
	s10 =	simm.s32 $0x8;
	[sflag:s31] =	ssyncadd.s32 $0xFFFFFFB0  }
0x5e: {  	[tilespmem:s30], [sflag:$0x1] =	stream.indirect.gather [hbm4b:s0+s29], $0x80, s2, s29, $0xb8;
	[tilespmem:$0x1CE00] =	vst v63  }
0x5f: {  	_ =	swait.ge [sflag:s10], $0x50  }
0x60: {  	[sflag:s10] =	ssyncset.done $0x0  }
0x61: {  	s1 =	simm.s32 $0x13C80;
	s25 =	simm.s32 $0x9;
	[sflag:s10] =	ssyncadd.s32 $0xFFFFFFB0  }
0x62: {  	[tilespmem:s17], [sflag:$0x2] =	stream.indirect.gather [hbm4b:s0+s29], $0x80, s1, s29, $0xb8;
	[tilespmem:$0x1CE00] =	vst v63  }
0x63: {  	_ =	swait.ge [sflag:s25], $0x50  }
0x64: {  	[sflag:s25] =	ssyncset.done $0x0  }
0x65: {  	s23 =	simm.s32 $0x13D00;
	s24 =	rddreg [dreg:$0x19];
	[sflag:s25] =	ssyncadd.s32 $0xFFFFFFB0  }
0x66: {  	[tilespmem:s12], [sflag:$0x3] =	stream.indirect.gather [hbm4b:s0+s29], $0x80, s23, s29, $0xb8;
	[tilespmem:$0x1CE00] =	vst v63  }
0x67: {  	s13 =	simm.s32 $0x1BA00;
	s26 =	rddreg [dreg:$0x1a]  }
0x68: {  	[spmem:s24] =	stream.linear.scatter [tilespmem:s13], [sflag:$0x13], $0x1400, $0x38;
	[tilespmem:$0x1CE00] =	vst v63  }
0x69: {  	s1 =	rddreg [dreg:$0x1b]  }
0x6a: {  	[spmem:s26] =	stream.linear.scatter [tilespmem:s13], [sflag:$0x13], $0x1400, $0x38;
	[tilespmem:$0x1CE00] =	vst v63  }
0x6b: {  	s2 =	rddreg [dreg:$0x1c]  }
0x6c: {  	[spmem:s1] =	stream.linear.scatter [tilespmem:s13], [sflag:$0x13], $0x1400, $0x38;
	[tilespmem:$0x1CE00] =	vst v63  }
0x6d: {  	s5 =	rddreg [dreg:$0x1d]  }
0x6e: {  	[spmem:s2] =	stream.linear.scatter [tilespmem:s13], [sflag:$0x13], $0x1400, $0x38;
	[tilespmem:$0x1CE00] =	vst v63  }
0x6f: {  	s6 =	rddreg [dreg:$0x1e]  }
0x70: {  	[spmem:s5] =	stream.linear.scatter [tilespmem:s13], [sflag:$0x13], $0x1400, $0x38;
	[tilespmem:$0x1CE00] =	vst v63  }
0x71: {  	s15 =	rddreg [dreg:$0x1f]  }
0x72: {  	[spmem:s6] =	stream.linear.scatter [tilespmem:s13], [sflag:$0x13], $0x1400, $0x38;
	[tilespmem:$0x1CE00] =	vst v63  }
0x73: {  	s19 =	sld [smem:$0x7E5]  }
0x74: {  	[spmem:s15] =	stream.linear.scatter [tilespmem:s13], [sflag:$0x13], $0x1400, $0x38;
	[tilespmem:$0x1CE00] =	vst v63  }
0x75: {  	s23 =	sld [smem:$0x7E6]  }
0x76: {  	[spmem:s19] =	stream.linear.scatter [tilespmem:s13], [sflag:$0x13], $0x1400, $0x38;
	[tilespmem:$0x1CE00] =	vst v63  }
0x77: {  	s24 =	sld [smem:$0x7E7]  }
0x78: {  	[spmem:s23] =	stream.linear.scatter [tilespmem:s13], [sflag:$0x13], $0x1400, $0x38;
	[tilespmem:$0x1CE00] =	vst v63  }
0x79: {  	s26 =	sld [smem:$0x7E8]  }
0x7a: {  	[spmem:s24] =	stream.linear.scatter [tilespmem:s13], [sflag:$0x13], $0x1400, $0x38;
	[tilespmem:$0x1CE00] =	vst v63  }
0x7b: {  	s1 =	sld [smem:$0x7EB]  }
0x7c: {  	[spmem:s26] =	stream.linear.scatter [tilespmem:s13], [sflag:$0x13], $0x1400, $0x38;
	[tilespmem:$0x1CE00] =	vst v63  }
0x7d: {  	s2 =	sld [smem:$0x7EC]  }
0x7e: {  	[spmem:s1] =	stream.linear.scatter [tilespmem:s13], [sflag:$0x13], $0x1400, $0x38;
	[tilespmem:$0x1CE00] =	vst v63  }
0x7f: {  	s5 =	sld [smem:$0x7ED]  }
0x80: {  	[spmem:s2] =	stream.linear.scatter [tilespmem:s13], [sflag:$0x13], $0x1400, $0x38;
	[tilespmem:$0x1CE00] =	vst v63  }
0x81: {  	s6 =	sld [smem:$0x7EE]  }
0x82: {  	[spmem:s5] =	stream.linear.scatter [tilespmem:s13], [sflag:$0x13], $0x1400, $0x38;
	[tilespmem:$0x1CE00] =	vst v63  }
0x83: {  	s15 =	sld [smem:$0x7EF]  }
0x84: {  	[spmem:s6] =	stream.linear.scatter [tilespmem:s13], [sflag:$0x13], $0x1400, $0x38;
	[tilespmem:$0x1CE00] =	vst v63  }
0x85: {  	s19 =	simm.s32 $0x13  }
0x86: {  	[spmem:s15] =	stream.linear.scatter [tilespmem:s13], [sflag:$0x13], $0x1000, $0x38;
	[tilespmem:$0x1CE00] =	vst v63  }
0x87: {  	_ =	swait.ge [sflag:s19], $0x1400  }
0x88: {  	[sflag:s19] =	ssyncset.done $0x0  }
0x89: {  	[sflag:s19] =	ssyncadd.s32 $0xFFFFEC00  }
0x8a: {  	_ =	swait.ge [sflag:s19], $0x1400  }
0x8b: {  	[sflag:s19] =	ssyncset.done $0x0  }
0x8c: {  	[sflag:s19] =	ssyncadd.s32 $0xFFFFEC00  }
0x8d: {  	_ =	swait.ge [sflag:s19], $0x1400  }
0x8e: {  	[sflag:s19] =	ssyncset.done $0x0  }
0x8f: {  	[sflag:s19] =	ssyncadd.s32 $0xFFFFEC00  }
0x90: {  	_ =	swait.ge [sflag:s19], $0x1400  }
0x91: {  	[sflag:s19] =	ssyncset.done $0x0  }
0x92: {  	[sflag:s19] =	ssyncadd.s32 $0xFFFFEC00  }
0x93: {  	_ =	swait.ge [sflag:s19], $0x1400  }
0x94: {  	[sflag:s19] =	ssyncset.done $0x0  }
0x95: {  	[sflag:s19] =	ssyncadd.s32 $0xFFFFEC00  }
0x96: {  	_ =	swait.ge [sflag:s19], $0x1400  }
0x97: {  	[sflag:s19] =	ssyncset.done $0x0  }
0x98: {  	[sflag:s19] =	ssyncadd.s32 $0xFFFFEC00  }
0x99: {  	_ =	swait.ge [sflag:s19], $0x1400  }
0x9a: {  	[sflag:s19] =	ssyncset.done $0x0  }
0x9b: {  	[sflag:s19] =	ssyncadd.s32 $0xFFFFEC00  }
0x9c: {  	_ =	swait.ge [sflag:s19], $0x1400  }
0x9d: {  	[sflag:s19] =	ssyncset.done $0x0  }
0x9e: {  	[sflag:s19] =	ssyncadd.s32 $0xFFFFEC00  }
0x9f: {  	_ =	swait.ge [sflag:s19], $0x1400  }
0xa0: {  	[sflag:s19] =	ssyncset.done $0x0  }
0xa1: {  	[sflag:s19] =	ssyncadd.s32 $0xFFFFEC00  }
0xa2: {  	_ =	swait.ge [sflag:s19], $0x1400  }
0xa3: {  	[sflag:s19] =	ssyncset.done $0x0  }
0xa4: {  	[sflag:s19] =	ssyncadd.s32 $0xFFFFEC00  }
0xa5: {  	_ =	swait.ge [sflag:s19], $0x1400  }
0xa6: {  	[sflag:s19] =	ssyncset.done $0x0  }
0xa7: {  	[sflag:s19] =	ssyncadd.s32 $0xFFFFEC00  }
0xa8: {  	_ =	swait.ge [sflag:s19], $0x1400  }
0xa9: {  	[sflag:s19] =	ssyncset.done $0x0  }
0xaa: {  	[sflag:s19] =	ssyncadd.s32 $0xFFFFEC00  }
0xab: {  	_ =	swait.ge [sflag:s19], $0x1400  }
0xac: {  	[sflag:s19] =	ssyncset.done $0x0  }
0xad: {  	[sflag:s19] =	ssyncadd.s32 $0xFFFFEC00  }
0xae: {  	_ =	swait.ge [sflag:s19], $0x1400  }
0xaf: {  	[sflag:s19] =	ssyncset.done $0x0  }
0xb0: {  	[sflag:s19] =	ssyncadd.s32 $0xFFFFEC00  }
0xb1: {  	_ =	swait.ge [sflag:s19], $0x1400  }
0xb2: {  	[sflag:s19] =	ssyncset.done $0x0  }
0xb3: {  	[sflag:s19] =	ssyncadd.s32 $0xFFFFEC00  }
0xb4: {  	_ =	swait.ge [sflag:s19], $0x1000  }
0xb5: {  	[sflag:s19] =	ssyncset.done $0x0  }
0xb6: {  	[sflag:s19] =	ssyncadd.s32 $0xFFFFF000  }
0xb7: {  	[bflag:$0x0] =	sbarrier.arrive $0xFFFF  }
0xb8: {  	_ =	swait.ge [sflag:s9], $0x2800  }
0xb9: {  	[sflag:s9] =	ssyncset.done $0x0  }
0xba: {  	s2 =	simm.s32 $0xD;
	[sflag:s9] =	ssyncadd.s32 $0xFFFFD800  }
0xbb: {  	_ =	swait.ge [sflag:s2], $0x50  }
0xbc: {  	[sflag:s2] =	ssyncset.done $0x0  }
0xbd: {  	s23 =	simm.s32 $0x13F00;
	[sflag:s2] =	ssyncadd.s32 $0xFFFFFFB0  }
0xbe: {  	[spmem:s3] =	stream.indirect.scatter.add.f32 [tilespmem:s30], [sflag:$0x4], $0x80, s23, s29, $0xb8;
	[tilespmem:$0x1CE00] =	vst v63  }
0xbf: {  	_ =	swait.ge [sflag:s11], $0x2800  }
0xc0: {  	[sflag:s11] =	ssyncset.done $0x0  }
0xc1: {  	s6 =	simm.s32 $0xA;
	[sflag:s11] =	ssyncadd.s32 $0xFFFFD800  }
0xc2: {  	_ =	swait.ge [sflag:s6], $0x50  }
0xc3: {  	[sflag:s6] =	ssyncset.done $0x0  }
0xc4: {  	s15 =	sld [smem:$0x7F0];
	[sflag:s6] =	ssyncadd.s32 $0xFFFFFFB0  }
0xc5: {  	[tilespmem:s30], [sflag:$0x1] =	stream.indirect.gather [hbm4b:s0+s29], $0x80, s7, s29, $0xb8;
	[tilespmem:$0x1CE00] =	vst v63  }
0xc6: {  	s14 =	simm.s32 $0x0;
	s26 =	simm.s32 $0x13E00;
	s24 =	sld [smem:$0x7F1]  }
0xc7: {  	[tilespmem:s26], [sflag:$0xB] =	stream.linear.gather [hbm4b:s15+s14], $0x50, $0x38;
	[tilespmem:$0x1CE00] =	vst v63  }
0xc8: {  	s5 =	simm.s32 $0x14100  }
0xc9: {  	[tilespmem:s5], [sflag:$0x11] =	stream.linear.gather [hbm4b:s24+s14], $0x50, $0x38;
	[tilespmem:$0x1CE00] =	vst v63  }
0xca: {  	_ =	swait.ge [sflag:s16], $0x2800  }
0xcb: {  	[sflag:s16] =	ssyncset.done $0x0  }
0xcc: {  	s5 =	simm.s32 $0xE;
	[sflag:s16] =	ssyncadd.s32 $0xFFFFD800  }
0xcd: {  	_ =	swait.ge [sflag:s5], $0x50  }
0xce: {  	[sflag:s5] =	ssyncset.done $0x0  }
0xcf: {  	s1 =	simm.s32 $0x13F80;
	[sflag:s5] =	ssyncadd.s32 $0xFFFFFFB0  }
0xd0: {  	[spmem:s3] =	stream.indirect.scatter.add.f32 [tilespmem:s17], [sflag:$0x5], $0x80, s1, s29, $0xb8;
	[tilespmem:$0x1CE00] =	vst v63  }
0xd1: {  	_ =	swait.ge [sflag:s18], $0x2800  }
0xd2: {  	[sflag:s18] =	ssyncset.done $0x0  }
0xd3: {  	s19 =	simm.s32 $0xB;
	[sflag:s18] =	ssyncadd.s32 $0xFFFFD800  }
0xd4: {  	_ =	swait.ge [sflag:s19], $0x50  }
0xd5: {  	[sflag:s19] =	ssyncset.done $0x0  }
0xd6: {  	s13 =	sld [smem:$0x7F2];
	[sflag:s19] =	ssyncadd.s32 $0xFFFFFFB0  }
0xd7: {  	[tilespmem:s17], [sflag:$0x2] =	stream.indirect.gather [hbm4b:s0+s29], $0x80, s26, s29, $0xb8;
	[tilespmem:$0x1CE00] =	vst v63  }
0xd8: {  	_ = 	snop  }
0xd9: {  	[tilespmem:s21], [sflag:$0xC] =	stream.linear.gather [hbm4b:s13+s14], $0x50, $0x38;
	[tilespmem:$0x1CE00] =	vst v63  }
0xda: {  	s21 =	sld [smem:$0x7F3];
	_ =	sdelay $0x2  }
0xdb: {  	[tilespmem:s22], [sflag:$0x12] =	stream.linear.gather [hbm4b:s21+s14], $0x50, $0x38;
	[tilespmem:$0x1CE00] =	vst v63  }
0xdc: {  	_ =	swait.ge [sflag:s8], $0x2800  }
0xdd: {  	[sflag:s8] =	ssyncset.done $0x0  }
0xde: {  	s21 =	simm.s32 $0xF;
	[sflag:s8] =	ssyncadd.s32 $0xFFFFD800  }
0xdf: {  	_ =	swait.ge [sflag:s21], $0x50  }
0xe0: {  	[sflag:s21] =	ssyncset.done $0x0  }
0xe1: {  	s7 =	simm.s32 $0x14000;
	[sflag:s21] =	ssyncadd.s32 $0xFFFFFFB0  }
0xe2: {  	[spmem:s3] =	stream.indirect.scatter.add.f32 [tilespmem:s12], [sflag:$0x6], $0x80, s7, s29, $0xb8;
	[tilespmem:$0x1CE00] =	vst v63  }
0xe3: {  	_ =	swait.ge [sflag:s20], $0x2800  }
0xe4: {  	[sflag:s20] =	ssyncset.done $0x0  }
0xe5: {  	s24 =	simm.s32 $0xC;
	[sflag:s20] =	ssyncadd.s32 $0xFFFFD800  }
0xe6: {  	_ =	swait.ge [sflag:s24], $0x50  }
0xe7: {  	[sflag:s24] =	ssyncset.done $0x0  }
0xe8: {  	s22 =	simm.s32 $0x13E80;
	s15 =	sld [smem:$0x7F4];
	[sflag:s24] =	ssyncadd.s32 $0xFFFFFFB0  }
0xe9: {  	[tilespmem:s12], [sflag:$0x3] =	stream.indirect.gather [hbm4b:s0+s29], $0x80, s22, s29, $0xb8;
	[tilespmem:$0x1CE00] =	vst v63  }
0xea: {  	s22 =	simm.s32 $0x13C00  }
0xeb: {  	[tilespmem:s22], [sflag:$0x7] =	stream.linear.gather [hbm4b:s15+s14], $0x50, $0x38;
	[tilespmem:$0x1CE00] =	vst v63  }
0xec: {  	s15 =	sld [smem:$0x7F5];
	_ =	sdelay $0x1  }
0xed: {  	s23 =	simm.s32 $0x13F00  }
0xee: {  	[tilespmem:s23], [sflag:$0xD] =	stream.linear.gather [hbm4b:s15+s14], $0x50, $0x38;
	[tilespmem:$0x1CE00] =	vst v63  }
0xef: {  	_ =	swait.ge [sflag:s9], $0x2800  }
0xf0: {  	[sflag:s9] =	ssyncset.done $0x0  }
0xf1: {  	s23 =	simm.s32 $0x10;
	[sflag:s9] =	ssyncadd.s32 $0xFFFFD800  }
0xf2: {  	_ =	swait.ge [sflag:s23], $0x50  }
0xf3: {  	[sflag:s23] =	ssyncset.done $0x0  }
0xf4: {  	s28 =	simm.s32 $0x14080;
	[sflag:s23] =	ssyncadd.s32 $0xFFFFFFB0  }
0xf5: {  	[spmem:s3] =	stream.indirect.scatter.add.f32 [tilespmem:s30], [sflag:$0x4], $0x80, s28, s29, $0xb8;
	[tilespmem:$0x1CE00] =	vst v63  }
0xf6: {  	_ =	swait.ge [sflag:s11], $0x2800  }
0xf7: {  	[sflag:s11] =	ssyncset.done $0x0  }
0xf8: {  	[sflag:s11] =	ssyncadd.s32 $0xFFFFD800  }
0xf9: {  	_ =	swait.ge [sflag:s31], $0x50  }
0xfa: {  	[sflag:s31] =	ssyncset.done $0x0  }
0xfb: {  	s30 =	rddreg [dreg:$0xf];
	[sflag:s31] =	ssyncadd.s32 $0xFFFFFFB0;
	s31 =	simm.s32 $0x14200  }
0xfc: {  	[tilespmem:s31], [sflag:$0x1] =	stream.indirect.gather [hbm4b:s0+s29], $0x80, s22, s29, $0xb8;
	[tilespmem:$0x1CE00] =	vst v63  }
0xfd: {  	s15 =	rddreg [dreg:$0x10];
	s14 =	sadd.s32 $0x0, s30;
	s30 =	simm.s32 $0x13C80  }
0xfe: {  	[tilespmem:s30], [sflag:$0x8] =	stream.linear.gather [hbm4b:s14+s4], $0x50, $0x38;
	[tilespmem:$0x1CE00] =	vst v63  }
0xff: {  	s1 =	simm.s32 $0x13F80;
	s22 =	sadd.s32 $0x0, s15  }
0x100: {  	[tilespmem:s1], [sflag:$0xE] =	stream.linear.gather [hbm4b:s22+s4], $0x50, $0x38;
	[tilespmem:$0x1CE00] =	vst v63  }
0x101: {  	_ =	swait.ge [sflag:s16], $0x2800  }
0x102: {  	[sflag:s16] =	ssyncset.done $0x0  }
0x103: {  	s22 =	simm.s32 $0x11;
	[sflag:s16] =	ssyncadd.s32 $0xFFFFD800  }
0x104: {  	_ =	swait.ge [sflag:s22], $0x50  }
0x105: {  	[sflag:s22] =	ssyncset.done $0x0  }
0x106: {  	s15 =	simm.s32 $0x14100;
	[sflag:s22] =	ssyncadd.s32 $0xFFFFFFB0  }
0x107: {  	[spmem:s3] =	stream.indirect.scatter.add.f32 [tilespmem:s17], [sflag:$0x5], $0x80, s15, s29, $0xb8;
	[tilespmem:$0x1CE00] =	vst v63  }
0x108: {  	_ =	swait.ge [sflag:s18], $0x2800  }
0x109: {  	[sflag:s18] =	ssyncset.done $0x0  }
0x10a: {  	[sflag:s18] =	ssyncadd.s32 $0xFFFFD800  }
0x10b: {  	_ =	swait.ge [sflag:s10], $0x50  }
0x10c: {  	[sflag:s10] =	ssyncset.done $0x0  }
0x10d: {  	s1 =	rddreg [dreg:$0xd];
	[sflag:s10] =	ssyncadd.s32 $0xFFFFFFB0  }
0x10e: {  	[tilespmem:s17], [sflag:$0x2] =	stream.indirect.gather [hbm4b:s0+s29], $0x80, s30, s29, $0xb8;
	[tilespmem:$0x1CE00] =	vst v63  }
0x10f: {  	s10 =	rddreg [dreg:$0xe];
	s14 =	sadd.s32 $0x0, s1;
	s1 =	simm.s32 $0x13D00  }
0x110: {  	[tilespmem:s1], [sflag:$0x9] =	stream.linear.gather [hbm4b:s14+s4], $0x50, $0x38;
	[tilespmem:$0x1CE00] =	vst v63  }
0x111: {  	s15 =	sadd.s32 $0x0, s10  }
0x112: {  	[tilespmem:s7], [sflag:$0xF] =	stream.linear.gather [hbm4b:s15+s4], $0x50, $0x38;
	[tilespmem:$0x1CE00] =	vst v63  }
0x113: {  	_ =	swait.ge [sflag:s8], $0x2800  }
0x114: {  	[sflag:s8] =	ssyncset.done $0x0  }
0x115: {  	s10 =	simm.s32 $0x12;
	[sflag:s8] =	ssyncadd.s32 $0xFFFFD800  }
0x116: {  	_ =	swait.ge [sflag:s10], $0x50  }
0x117: {  	[sflag:s10] =	ssyncset.done $0x0  }
0x118: {  	s30 =	simm.s32 $0x14180;
	[sflag:s10] =	ssyncadd.s32 $0xFFFFFFB0  }
0x119: {  	[spmem:s3] =	stream.indirect.scatter.add.f32 [tilespmem:s12], [sflag:$0x6], $0x80, s30, s29, $0xb8;
	[tilespmem:$0x1CE00] =	vst v63  }
0x11a: {  	_ =	swait.ge [sflag:s20], $0x2800  }
0x11b: {  	[sflag:s20] =	ssyncset.done $0x0  }
0x11c: {  	[sflag:s20] =	ssyncadd.s32 $0xFFFFD800  }
0x11d: {  	_ =	swait.ge [sflag:s25], $0x50  }
0x11e: {  	[sflag:s25] =	ssyncset.done $0x0  }
0x11f: {  	s15 =	rddreg [dreg:$0xb];
	[sflag:s25] =	ssyncadd.s32 $0xFFFFFFB0  }
0x120: {  	[tilespmem:s12], [sflag:$0x3] =	stream.indirect.gather [hbm4b:s0+s29], $0x80, s1, s29, $0xb8;
	[tilespmem:$0x1CE00] =	vst v63  }
0x121: {  	s13 =	simm.s32 $0x13D80;
	s25 =	rddreg [dreg:$0xc];
	s14 =	sadd.s32 $0x0, s15  }
0x122: {  	[tilespmem:s13], [sflag:$0xA] =	stream.linear.gather [hbm4b:s14+s4], $0x50, $0x38;
	[tilespmem:$0x1CE00] =	vst v63  }
0x123: {  	s15 =	sadd.s32 $0x0, s25  }
0x124: {  	[tilespmem:s28], [sflag:$0x10] =	stream.linear.gather [hbm4b:s15+s4], $0x50, $0x38;
	[tilespmem:$0x1CE00] =	vst v63  }
0x125: {  	_ =	swait.ge [sflag:s9], $0x2800  }
0x126: {  	[sflag:s9] =	ssyncset.done $0x0  }
0x127: {  	[sflag:s9] =	ssyncadd.s32 $0xFFFFD800  }
0x128: {  	_ =	swait.ge [sflag:s2], $0x50  }
0x129: {  	[sflag:s2] =	ssyncset.done $0x0  }
0x12a: {  	s25 =	simm.s32 $0x13F00;
	[sflag:s2] =	ssyncadd.s32 $0xFFFFFFB0  }
0x12b: {  	[spmem:s3] =	stream.indirect.scatter.add.f32 [tilespmem:s31], [sflag:$0x4], $0x80, s25, s29, $0xb8;
	[tilespmem:$0x1CE00] =	vst v63  }
0x12c: {  	_ =	swait.ge [sflag:s11], $0x2800  }
0x12d: {  	[sflag:s11] =	ssyncset.done $0x0  }
0x12e: {  	[sflag:s11] =	ssyncadd.s32 $0xFFFFD800  }
0x12f: {  	_ =	swait.ge [sflag:s6], $0x50  }
0x130: {  	[sflag:s6] =	ssyncset.done $0x0  }
0x131: {  	s2 =	rddreg [dreg:$0x9];
	[sflag:s6] =	ssyncadd.s32 $0xFFFFFFB0  }
0x132: {  	[tilespmem:s31], [sflag:$0x1] =	stream.indirect.gather [hbm4b:s0+s29], $0x80, s13, s29, $0xb8;
	[tilespmem:$0x1CE00] =	vst v63  }
0x133: {  	s6 =	rddreg [dreg:$0xa];
	s14 =	sadd.s32 $0x0, s2  }
0x134: {  	[tilespmem:s26], [sflag:$0xB] =	stream.linear.gather [hbm4b:s14+s4], $0x50, $0x38;
	[tilespmem:$0x1CE00] =	vst v63  }
0x135: {  	s25 =	simm.s32 $0x14100;
	s15 =	sadd.s32 $0x0, s6  }
0x136: {  	[tilespmem:s25], [sflag:$0x11] =	stream.linear.gather [hbm4b:s15+s4], $0x50, $0x38;
	[tilespmem:$0x1CE00] =	vst v63  }
0x137: {  	_ =	swait.ge [sflag:s16], $0x2800  }
0x138: {  	[sflag:s16] =	ssyncset.done $0x0  }
0x139: {  	[sflag:s16] =	ssyncadd.s32 $0xFFFFD800  }
0x13a: {  	_ =	swait.ge [sflag:s5], $0x50  }
0x13b: {  	[sflag:s5] =	ssyncset.done $0x0  }
0x13c: {  	s2 =	simm.s32 $0x13F80;
	[sflag:s5] =	ssyncadd.s32 $0xFFFFFFB0  }
0x13d: {  	[spmem:s3] =	stream.indirect.scatter.add.f32 [tilespmem:s17], [sflag:$0x5], $0x80, s2, s29, $0xb8;
	[tilespmem:$0x1CE00] =	vst v63  }
0x13e: {  	_ =	swait.ge [sflag:s18], $0x2800  }
0x13f: {  	[sflag:s18] =	ssyncset.done $0x0  }
0x140: {  	[sflag:s18] =	ssyncadd.s32 $0xFFFFD800  }
0x141: {  	_ =	swait.ge [sflag:s19], $0x50  }
0x142: {  	[sflag:s19] =	ssyncset.done $0x0  }
0x143: {  	s5 =	rddreg [dreg:$0x7];
	[sflag:s19] =	ssyncadd.s32 $0xFFFFFFB0  }
0x144: {  	[tilespmem:s17], [sflag:$0x2] =	stream.indirect.gather [hbm4b:s0+s29], $0x80, s26, s29, $0xb8;
	[tilespmem:$0x1CE00] =	vst v63  }
0x145: {  	s6 =	rddreg [dreg:$0x8];
	s14 =	sadd.s32 $0x0, s5;
	s17 =	simm.s32 $0x13E80  }
0x146: {  	[tilespmem:s17], [sflag:$0xC] =	stream.linear.gather [hbm4b:s14+s4], $0x50, $0x38;
	[tilespmem:$0x1CE00] =	vst v63  }
0x147: {  	s30 =	simm.s32 $0x14180;
	s19 =	sadd.s32 $0x0, s6  }
0x148: {  	[tilespmem:s30], [sflag:$0x12] =	stream.linear.gather [hbm4b:s19+s4], $0x50, $0x38;
	[tilespmem:$0x1CE00] =	vst v63  }
0x149: {  	_ =	swait.ge [sflag:s8], $0x2800  }
0x14a: {  	[sflag:s8] =	ssyncset.done $0x0  }
0x14b: {  	[sflag:s8] =	ssyncadd.s32 $0xFFFFD800  }
0x14c: {  	_ =	swait.ge [sflag:s21], $0x50  }
0x14d: {  	[sflag:s21] =	ssyncset.done $0x0  }
0x14e: {  	[sflag:s21] =	ssyncadd.s32 $0xFFFFFFB0  }
0x14f: {  	[spmem:s3] =	stream.indirect.scatter.add.f32 [tilespmem:s12], [sflag:$0x6], $0x80, s7, s29, $0xb8;
	[tilespmem:$0x1CE00] =	vst v63  }
0x150: {  	_ =	swait.ge [sflag:s20], $0x2800  }
0x151: {  	[sflag:s20] =	ssyncset.done $0x0  }
0x152: {  	[sflag:s20] =	ssyncadd.s32 $0xFFFFD800  }
0x153: {  	_ =	swait.ge [sflag:s24], $0x50  }
0x154: {  	[sflag:s24] =	ssyncset.done $0x0  }
0x155: {  	s25 =	rddreg [dreg:$0x5];
	[sflag:s24] =	ssyncadd.s32 $0xFFFFFFB0  }
0x156: {  	[tilespmem:s12], [sflag:$0x3] =	stream.indirect.gather [hbm4b:s0+s29], $0x80, s17, s29, $0xb8;
	[tilespmem:$0x1CE00] =	vst v63  }
0x157: {  	s30 =	simm.s32 $0x13C00;
	s26 =	rddreg [dreg:$0x6];
	s14 =	sadd.s32 $0x0, s25  }
0x158: {  	[tilespmem:s30], [sflag:$0x7] =	stream.linear.gather [hbm4b:s14+s4], $0x50, $0x38;
	[tilespmem:$0x1CE00] =	vst v63  }
0x159: {  	s6 =	simm.s32 $0x16A00;
	s25 =	simm.s32 $0x3C;
	s14 =	sadd.s32 $0x0, s26  }
.LBB2_4:
0x15a: {  	s17 =	simm.s32 $0x13F00  }
0x15b: {  	[tilespmem:s17], [sflag:$0xD] =	stream.linear.gather [hbm4b:s14+s4], $0x50, $0x38;
	[tilespmem:$0x1CE00] =	vst v63  }
0x15c: {  	_ =	swait.ge [sflag:s9], $0x2800  }
0x15d: {  	[sflag:s9] =	ssyncset.done $0x0  }
0x15e: {  	[sflag:s9] =	ssyncadd.s32 $0xFFFFD800  }
0x15f: {  	_ =	swait.ge [sflag:s23], $0x50  }
0x160: {  	[sflag:s23] =	ssyncset.done $0x0  }
0x161: {  	[sflag:s23] =	ssyncadd.s32 $0xFFFFFFB0  }
0x162: {  	[spmem:s3] =	stream.indirect.scatter.add.f32 [tilespmem:s31], [sflag:$0x4], $0x80, s28, s29, $0xb8;
	[tilespmem:$0x1CE00] =	vst v63  }
0x163: {  	_ =	swait.ge [sflag:s11], $0x2800  }
0x164: {  	[sflag:s11] =	ssyncset.done $0x0  }
0x165: {  	s2 =	simm.s32 $0x7;
	[sflag:s11] =	ssyncadd.s32 $0xFFFFD800  }
0x166: {  	_ =	swait.ge [sflag:s2], $0x50  }
0x167: {  	s26 =	smov.u32 s25;
	[sflag:s2] =	ssyncset.done $0x0  }
0x168: {  	s1 =	simm.s32 $0x13C00;
	s19 =	rddreg [dreg:$0xf];
	[sflag:s2] =	ssyncadd.s32 $0xFFFFFFB0  }
0x169: {  	[tilespmem:s31], [sflag:$0x1] =	stream.indirect.gather [hbm4b:s0+s29], $0x80, s1, s29, $0xb8;
	[tilespmem:$0x1CE00] =	vst v63  }
0x16a: {  	s15 =	rddreg [dreg:$0x10];
	s14 =	sadd.s32 s26, s19;
	s31 =	simm.s32 $0x13C80  }
0x16b: {  	[tilespmem:s31], [sflag:$0x8] =	stream.linear.gather [hbm4b:s14+s4], $0x50, $0x38;
	[tilespmem:$0x1CE00] =	vst v63  }
0x16c: {  	s5 =	simm.s32 $0x13F80;
	s2 =	sadd.s32 s26, s15  }
0x16d: {  	[tilespmem:s5], [sflag:$0xE] =	stream.linear.gather [hbm4b:s2+s4], $0x50, $0x38;
	[tilespmem:$0x1CE00] =	vst v63  }
0x16e: {  	_ =	swait.ge [sflag:s16], $0x2800  }
0x16f: {  	[sflag:s16] =	ssyncset.done $0x0  }
0x170: {  	[sflag:s16] =	ssyncadd.s32 $0xFFFFD800  }
0x171: {  	_ =	swait.ge [sflag:s22], $0x50  }
0x172: {  	[sflag:s22] =	ssyncset.done $0x0  }
0x173: {  	s30 =	simm.s32 $0x14100;
	[sflag:s22] =	ssyncadd.s32 $0xFFFFFFB0  }
0x174: {  	[spmem:s3] =	stream.indirect.scatter.add.f32 [tilespmem:s6], [sflag:$0x5], $0x80, s30, s29, $0xb8;
	[tilespmem:$0x1CE00] =	vst v63  }
0x175: {  	_ =	swait.ge [sflag:s18], $0x2800  }
0x176: {  	[sflag:s18] =	ssyncset.done $0x0  }
0x177: {  	s14 =	simm.s32 $0x8;
	[sflag:s18] =	ssyncadd.s32 $0xFFFFD800  }
0x178: {  	_ =	swait.ge [sflag:s14], $0x50  }
0x179: {  	[sflag:s14] =	ssyncset.done $0x0  }
0x17a: {  	s15 =	rddreg [dreg:$0xd];
	[sflag:s14] =	ssyncadd.s32 $0xFFFFFFB0  }
0x17b: {  	[tilespmem:s6], [sflag:$0x2] =	stream.indirect.gather [hbm4b:s0+s29], $0x80, s31, s29, $0xb8;
	[tilespmem:$0x1CE00] =	vst v63  }
0x17c: {  	s2 =	simm.s32 $0x13D00;
	s19 =	rddreg [dreg:$0xe];
	s14 =	sadd.s32 s26, s15  }
0x17d: {  	[tilespmem:s2], [sflag:$0x9] =	stream.linear.gather [hbm4b:s14+s4], $0x50, $0x38;
	[tilespmem:$0x1CE00] =	vst v63  }
0x17e: {  	s19 =	sadd.s32 s26, s19  }
0x17f: {  	[tilespmem:s7], [sflag:$0xF] =	stream.linear.gather [hbm4b:s19+s4], $0x50, $0x38;
	[tilespmem:$0x1CE00] =	vst v63  }
0x180: {  	_ =	swait.ge [sflag:s8], $0x2800  }
0x181: {  	[sflag:s8] =	ssyncset.done $0x0  }
0x182: {  	[sflag:s8] =	ssyncadd.s32 $0xFFFFD800  }
0x183: {  	_ =	swait.ge [sflag:s10], $0x50  }
0x184: {  	[sflag:s10] =	ssyncset.done $0x0  }
0x185: {  	s19 =	simm.s32 $0x14180;
	[sflag:s10] =	ssyncadd.s32 $0xFFFFFFB0  }
0x186: {  	[spmem:s3] =	stream.indirect.scatter.add.f32 [tilespmem:s12], [sflag:$0x6], $0x80, s19, s29, $0xb8;
	[tilespmem:$0x1CE00] =	vst v63  }
0x187: {  	_ =	swait.ge [sflag:s20], $0x2800  }
0x188: {  	[sflag:s20] =	ssyncset.done $0x0  }
0x189: {  	s15 =	simm.s32 $0x9;
	[sflag:s20] =	ssyncadd.s32 $0xFFFFD800  }
0x18a: {  	_ =	swait.ge [sflag:s15], $0x50  }
0x18b: {  	[sflag:s15] =	ssyncset.done $0x0  }
0x18c: {  	s14 =	rddreg [dreg:$0xb];
	[sflag:s15] =	ssyncadd.s32 $0xFFFFFFB0  }
0x18d: {  	[tilespmem:s12], [sflag:$0x3] =	stream.indirect.gather [hbm4b:s0+s29], $0x80, s2, s29, $0xb8;
	[tilespmem:$0x1CE00] =	vst v63  }
0x18e: {  	s15 =	rddreg [dreg:$0xc];
	s14 =	sadd.s32 s26, s14  }
0x18f: {  	[tilespmem:s13], [sflag:$0xA] =	stream.linear.gather [hbm4b:s14+s4], $0x50, $0x38;
	[tilespmem:$0x1CE00] =	vst v63  }
0x190: {  	s2 =	sadd.s32 s26, s15  }
0x191: {  	[tilespmem:s28], [sflag:$0x10] =	stream.linear.gather [hbm4b:s2+s4], $0x50, $0x38;
	[tilespmem:$0x1CE00] =	vst v63  }
0x192: {  	_ =	swait.ge [sflag:s9], $0x2800  }
0x193: {  	[sflag:s9] =	ssyncset.done $0x0  }
0x194: {  	s15 =	simm.s32 $0xD;
	[sflag:s9] =	ssyncadd.s32 $0xFFFFD800  }
0x195: {  	_ =	swait.ge [sflag:s15], $0x50  }
0x196: {  	[sflag:s15] =	ssyncset.done $0x0  }
0x197: {  	s31 =	simm.s32 $0x14200;
	[sflag:s15] =	ssyncadd.s32 $0xFFFFFFB0  }
0x198: {  	[spmem:s3] =	stream.indirect.scatter.add.f32 [tilespmem:s31], [sflag:$0x4], $0x80, s17, s29, $0xb8;
	[tilespmem:$0x1CE00] =	vst v63  }
0x199: {  	_ =	swait.ge [sflag:s11], $0x2800  }
0x19a: {  	[sflag:s11] =	ssyncset.done $0x0  }
0x19b: {  	s14 =	simm.s32 $0xA;
	[sflag:s11] =	ssyncadd.s32 $0xFFFFD800  }
0x19c: {  	_ =	swait.ge [sflag:s14], $0x50  }
0x19d: {  	[sflag:s14] =	ssyncset.done $0x0  }
0x19e: {  	s15 =	rddreg [dreg:$0x9];
	[sflag:s14] =	ssyncadd.s32 $0xFFFFFFB0  }
0x19f: {  	[tilespmem:s31], [sflag:$0x1] =	stream.indirect.gather [hbm4b:s0+s29], $0x80, s13, s29, $0xb8;
	[tilespmem:$0x1CE00] =	vst v63  }
0x1a0: {  	s2 =	simm.s32 $0x13E00;
	s17 =	rddreg [dreg:$0xa];
	s14 =	sadd.s32 s26, s15  }
0x1a1: {  	[tilespmem:s2], [sflag:$0xB] =	stream.linear.gather [hbm4b:s14+s4], $0x50, $0x38;
	[tilespmem:$0x1CE00] =	vst v63  }
0x1a2: {  	s15 =	sadd.s32 s26, s17  }
0x1a3: {  	[tilespmem:s30], [sflag:$0x11] =	stream.linear.gather [hbm4b:s15+s4], $0x50, $0x38;
	[tilespmem:$0x1CE00] =	vst v63  }
0x1a4: {  	_ =	swait.ge [sflag:s16], $0x2800  }
0x1a5: {  	[sflag:s16] =	ssyncset.done $0x0  }
0x1a6: {  	s17 =	simm.s32 $0xE;
	[sflag:s16] =	ssyncadd.s32 $0xFFFFD800  }
0x1a7: {  	_ =	swait.ge [sflag:s17], $0x50  }
0x1a8: {  	[sflag:s17] =	ssyncset.done $0x0  }
0x1a9: {  	[sflag:s17] =	ssyncadd.s32 $0xFFFFFFB0  }
0x1aa: {  	[spmem:s3] =	stream.indirect.scatter.add.f32 [tilespmem:s6], [sflag:$0x5], $0x80, s5, s29, $0xb8;
	[tilespmem:$0x1CE00] =	vst v63  }
0x1ab: {  	_ =	swait.ge [sflag:s18], $0x2800  }
0x1ac: {  	[sflag:s18] =	ssyncset.done $0x0  }
0x1ad: {  	s15 =	simm.s32 $0xB;
	[sflag:s18] =	ssyncadd.s32 $0xFFFFD800  }
0x1ae: {  	_ =	swait.ge [sflag:s15], $0x50  }
0x1af: {  	[sflag:s15] =	ssyncset.done $0x0  }
0x1b0: {  	s17 =	rddreg [dreg:$0x7];
	[sflag:s15] =	ssyncadd.s32 $0xFFFFFFB0  }
0x1b1: {  	[tilespmem:s6], [sflag:$0x2] =	stream.indirect.gather [hbm4b:s0+s29], $0x80, s2, s29, $0xb8;
	[tilespmem:$0x1CE00] =	vst v63  }
0x1b2: {  	s5 =	rddreg [dreg:$0x8];
	s14 =	sadd.s32 s26, s17;
	s2 =	simm.s32 $0x13E80  }
0x1b3: {  	[tilespmem:s2], [sflag:$0xC] =	stream.linear.gather [hbm4b:s14+s4], $0x50, $0x38;
	[tilespmem:$0x1CE00] =	vst v63  }
0x1b4: {  	s15 =	sadd.s32 s26, s5  }
0x1b5: {  	[tilespmem:s19], [sflag:$0x12] =	stream.linear.gather [hbm4b:s15+s4], $0x50, $0x38;
	[tilespmem:$0x1CE00] =	vst v63  }
0x1b6: {  	_ =	swait.ge [sflag:s8], $0x2800  }
0x1b7: {  	[sflag:s8] =	ssyncset.done $0x0  }
0x1b8: {  	[sflag:s8] =	ssyncadd.s32 $0xFFFFD800  }
0x1b9: {  	_ =	swait.ge [sflag:s21], $0x50  }
0x1ba: {  	[sflag:s21] =	ssyncset.done $0x0  }
0x1bb: {  	[sflag:s21] =	ssyncadd.s32 $0xFFFFFFB0  }
0x1bc: {  	[spmem:s3] =	stream.indirect.scatter.add.f32 [tilespmem:s12], [sflag:$0x6], $0x80, s7, s29, $0xb8;
	[tilespmem:$0x1CE00] =	vst v63  }
0x1bd: {  	_ =	swait.ge [sflag:s20], $0x2800  }
0x1be: {  	[sflag:s20] =	ssyncset.done $0x0  }
0x1bf: {  	[sflag:s20] =	ssyncadd.s32 $0xFFFFD800  }
0x1c0: {  	_ =	swait.ge [sflag:s24], $0x50  }
0x1c1: {  	p0 =	sne.s32 s25, $0x438;
	[sflag:s24] =	ssyncset.done $0x0  }
.Ltmp1:
0x1c2: {  	s17 =	rddreg [dreg:$0x5];
	[sflag:s24] =	ssyncadd.s32 $0xFFFFFFB0;
	(pc) =	sbr.rel @p0 .LBB2_4-.Ltmp1, $4  }
0x1c3: {  	[tilespmem:s12], [sflag:$0x3] =	stream.indirect.gather [hbm4b:s0+s29], $0x80, s2, s29, $0xb8;
	[tilespmem:$0x1CE00] =	vst v63  }
0x1c4: {  	s25 =	sadd.s32 $0x3C, s25;
	s19 =	rddreg [dreg:$0x6];
	s14 =	sadd.s32 s26, s17  }
0x1c5: {  	[tilespmem:s1], [sflag:$0x7] =	stream.linear.gather [hbm4b:s14+s4], $0x50, $0x38;
	[tilespmem:$0x1CE00] =	vst v63  }
0x1c6: {  	s30 =	simm.s32 $0x13C00;
	s5 =	simm.s32 $0x14180;
	s14 =	sadd.s32 s26, s19  }
0x1c7: {  	s17 =	simm.s32 $0x13F00  }
0x1c8: {  	[tilespmem:s17], [sflag:$0xD] =	stream.linear.gather [hbm4b:s14+s4], $0x50, $0x38;
	[tilespmem:$0x1CE00] =	vst v63  }
0x1c9: {  	_ =	swait.ge [sflag:s9], $0x2800  }
0x1ca: {  	[sflag:s9] =	ssyncset.done $0x0  }
0x1cb: {  	[sflag:s9] =	ssyncadd.s32 $0xFFFFD800  }
0x1cc: {  	_ =	swait.ge [sflag:s23], $0x50  }
0x1cd: {  	[sflag:s23] =	ssyncset.done $0x0  }
0x1ce: {  	[sflag:s23] =	ssyncadd.s32 $0xFFFFFFB0  }
0x1cf: {  	[spmem:s3] =	stream.indirect.scatter.add.f32 [tilespmem:s31], [sflag:$0x4], $0x80, s28, s29, $0xb8;
	[tilespmem:$0x1CE00] =	vst v63  }
0x1d0: {  	_ =	swait.ge [sflag:s11], $0x2800  }
0x1d1: {  	[sflag:s11] =	ssyncset.done $0x0  }
0x1d2: {  	s2 =	simm.s32 $0x7;
	[sflag:s11] =	ssyncadd.s32 $0xFFFFD800  }
0x1d3: {  	_ =	swait.ge [sflag:s2], $0x50  }
0x1d4: {  	[sflag:s2] =	ssyncset.done $0x0  }
0x1d5: {  	s24 =	sld [smem:$0x7F6];
	[sflag:s2] =	ssyncadd.s32 $0xFFFFFFB0  }
0x1d6: {  	[tilespmem:s31], [sflag:$0x1] =	stream.indirect.gather [hbm4b:s0+s29], $0x80, s30, s29, $0xb8;
	[tilespmem:$0x1CE00] =	vst v63  }
0x1d7: {  	s15 =	simm.s32 $0x13C80;
	s25 =	sld [smem:$0x7F7]  }
0x1d8: {  	[tilespmem:s15], [sflag:$0x8] =	stream.linear.gather [hbm4b:s24+s4], $0x50, $0x38;
	[tilespmem:$0x1CE00] =	vst v63  }
0x1d9: {  	s19 =	simm.s32 $0x13F80  }
0x1da: {  	[tilespmem:s19], [sflag:$0xE] =	stream.linear.gather [hbm4b:s25+s4], $0x50, $0x38;
	[tilespmem:$0x1CE00] =	vst v63  }
0x1db: {  	_ =	swait.ge [sflag:s16], $0x2800  }
0x1dc: {  	[sflag:s16] =	ssyncset.done $0x0  }
0x1dd: {  	[sflag:s16] =	ssyncadd.s32 $0xFFFFD800  }
0x1de: {  	_ =	swait.ge [sflag:s22], $0x50  }
0x1df: {  	[sflag:s22] =	ssyncset.done $0x0  }
0x1e0: {  	s24 =	simm.s32 $0x14100;
	[sflag:s22] =	ssyncadd.s32 $0xFFFFFFB0  }
0x1e1: {  	[spmem:s3] =	stream.indirect.scatter.add.f32 [tilespmem:s6], [sflag:$0x5], $0x80, s24, s29, $0xb8;
	[tilespmem:$0x1CE00] =	vst v63  }
0x1e2: {  	_ =	swait.ge [sflag:s18], $0x2800  }
0x1e3: {  	[sflag:s18] =	ssyncset.done $0x0  }
0x1e4: {  	s26 =	simm.s32 $0x8;
	[sflag:s18] =	ssyncadd.s32 $0xFFFFD800  }
0x1e5: {  	_ =	swait.ge [sflag:s26], $0x50  }
0x1e6: {  	[sflag:s26] =	ssyncset.done $0x0  }
0x1e7: {  	s30 =	sld [smem:$0x7F8];
	[sflag:s26] =	ssyncadd.s32 $0xFFFFFFB0  }
0x1e8: {  	[tilespmem:s6], [sflag:$0x2] =	stream.indirect.gather [hbm4b:s0+s29], $0x80, s15, s29, $0xb8;
	[tilespmem:$0x1CE00] =	vst v63  }
0x1e9: {  	s1 =	simm.s32 $0x13D00;
	s25 =	sld [smem:$0x7F9]  }
0x1ea: {  	[tilespmem:s1], [sflag:$0x9] =	stream.linear.gather [hbm4b:s30+s4], $0x50, $0x38;
	[tilespmem:$0x1CE00] =	vst v63  }
0x1eb: {  	_ = 	snop  }
0x1ec: {  	[tilespmem:s7], [sflag:$0xF] =	stream.linear.gather [hbm4b:s25+s4], $0x50, $0x38;
	[tilespmem:$0x1CE00] =	vst v63  }
0x1ed: {  	_ =	swait.ge [sflag:s8], $0x2800  }
0x1ee: {  	[sflag:s8] =	ssyncset.done $0x0  }
0x1ef: {  	[sflag:s8] =	ssyncadd.s32 $0xFFFFD800  }
0x1f0: {  	_ =	swait.ge [sflag:s10], $0x50  }
0x1f1: {  	[sflag:s10] =	ssyncset.done $0x0  }
0x1f2: {  	[sflag:s10] =	ssyncadd.s32 $0xFFFFFFB0  }
0x1f3: {  	[spmem:s3] =	stream.indirect.scatter.add.f32 [tilespmem:s12], [sflag:$0x6], $0x80, s5, s29, $0xb8;
	[tilespmem:$0x1CE00] =	vst v63  }
0x1f4: {  	_ =	swait.ge [sflag:s20], $0x2800  }
0x1f5: {  	[sflag:s20] =	ssyncset.done $0x0  }
0x1f6: {  	s26 =	simm.s32 $0x9;
	[sflag:s20] =	ssyncadd.s32 $0xFFFFD800  }
0x1f7: {  	_ =	swait.ge [sflag:s26], $0x50  }
0x1f8: {  	[sflag:s26] =	ssyncset.done $0x0  }
0x1f9: {  	s30 =	sld [smem:$0x7FA];
	[sflag:s26] =	ssyncadd.s32 $0xFFFFFFB0  }
0x1fa: {  	[tilespmem:s12], [sflag:$0x3] =	stream.indirect.gather [hbm4b:s0+s29], $0x80, s1, s29, $0xb8;
	[tilespmem:$0x1CE00] =	vst v63  }
0x1fb: {  	s1 =	sld [smem:$0x7FB]  }
0x1fc: {  	[tilespmem:s13], [sflag:$0xA] =	stream.linear.gather [hbm4b:s30+s4], $0x50, $0x38;
	[tilespmem:$0x1CE00] =	vst v63  }
0x1fd: {  	_ = 	snop  }
0x1fe: {  	[tilespmem:s28], [sflag:$0x10] =	stream.linear.gather [hbm4b:s1+s4], $0x50, $0x38;
	[tilespmem:$0x1CE00] =	vst v63  }
0x1ff: {  	_ =	swait.ge [sflag:s9], $0x2800  }
0x200: {  	[sflag:s9] =	ssyncset.done $0x0  }
0x201: {  	s1 =	simm.s32 $0xD;
	[sflag:s9] =	ssyncadd.s32 $0xFFFFD800  }
0x202: {  	_ =	swait.ge [sflag:s1], $0x50  }
0x203: {  	[sflag:s1] =	ssyncset.done $0x0  }
0x204: {  	[sflag:s1] =	ssyncadd.s32 $0xFFFFFFB0  }
0x205: {  	[spmem:s3] =	stream.indirect.scatter.add.f32 [tilespmem:s31], [sflag:$0x4], $0x80, s17, s29, $0xb8;
	[tilespmem:$0x1CE00] =	vst v63  }
0x206: {  	_ =	swait.ge [sflag:s11], $0x2800  }
0x207: {  	[sflag:s11] =	ssyncset.done $0x0  }
0x208: {  	s2 =	simm.s32 $0xA;
	[sflag:s11] =	ssyncadd.s32 $0xFFFFD800  }
0x209: {  	_ =	swait.ge [sflag:s2], $0x50  }
0x20a: {  	[sflag:s2] =	ssyncset.done $0x0  }
0x20b: {  	s5 =	sld [smem:$0x7FC];
	[sflag:s2] =	ssyncadd.s32 $0xFFFFFFB0  }
0x20c: {  	[tilespmem:s31], [sflag:$0x1] =	stream.indirect.gather [hbm4b:s0+s29], $0x80, s13, s29, $0xb8;
	[tilespmem:$0x1CE00] =	vst v63  }
0x20d: {  	s10 =	simm.s32 $0x13E00;
	s15 =	sld [smem:$0x7FD]  }
0x20e: {  	[tilespmem:s10], [sflag:$0xB] =	stream.linear.gather [hbm4b:s5+s4], $0x50, $0x38;
	[tilespmem:$0x1CE00] =	vst v63  }
0x20f: {  	_ = 	snop  }
0x210: {  	[tilespmem:s24], [sflag:$0x11] =	stream.linear.gather [hbm4b:s15+s4], $0x50, $0x38;
	[tilespmem:$0x1CE00] =	vst v63  }
0x211: {  	_ =	swait.ge [sflag:s16], $0x2800  }
0x212: {  	[sflag:s16] =	ssyncset.done $0x0  }
0x213: {  	s17 =	simm.s32 $0xE;
	[sflag:s16] =	ssyncadd.s32 $0xFFFFD800  }
0x214: {  	_ =	swait.ge [sflag:s17], $0x50  }
0x215: {  	[sflag:s17] =	ssyncset.done $0x0  }
0x216: {  	[sflag:s17] =	ssyncadd.s32 $0xFFFFFFB0  }
0x217: {  	[spmem:s3] =	stream.indirect.scatter.add.f32 [tilespmem:s6], [sflag:$0x5], $0x80, s19, s29, $0xb8;
	[tilespmem:$0x1CE00] =	vst v63  }
0x218: {  	_ =	swait.ge [sflag:s18], $0x2800  }
0x219: {  	[sflag:s18] =	ssyncset.done $0x0  }
0x21a: {  	s19 =	simm.s32 $0xB;
	[sflag:s18] =	ssyncadd.s32 $0xFFFFD800  }
0x21b: {  	_ =	swait.ge [sflag:s19], $0x50  }
0x21c: {  	[sflag:s19] =	ssyncset.done $0x0  }
0x21d: {  	[sflag:s19] =	ssyncadd.s32 $0xFFFFFFB0  }
0x21e: {  	[tilespmem:s6], [sflag:$0x2] =	stream.indirect.gather [hbm4b:s0+s29], $0x80, s10, s29, $0xb8;
	[tilespmem:$0x1CE00] =	vst v63  }
0x21f: {  	_ =	swait.ge [sflag:s8], $0x2800  }
0x220: {  	[sflag:s8] =	ssyncset.done $0x0  }
0x221: {  	[sflag:s8] =	ssyncadd.s32 $0xFFFFD800  }
0x222: {  	_ =	swait.ge [sflag:s21], $0x50  }
0x223: {  	[sflag:s21] =	ssyncset.done $0x0  }
0x224: {  	[sflag:s21] =	ssyncadd.s32 $0xFFFFFFB0  }
0x225: {  	[spmem:s3] =	stream.indirect.scatter.add.f32 [tilespmem:s12], [sflag:$0x6], $0x80, s7, s29, $0xb8;
	[tilespmem:$0x1CE00] =	vst v63  }
0x226: {  	_ =	swait.ge [sflag:s20], $0x2800  }
0x227: {  	[sflag:s20] =	ssyncset.done $0x0  }
0x228: {  	[sflag:s20] =	ssyncadd.s32 $0xFFFFD800  }
0x229: {  	_ =	swait.ge [sflag:s9], $0x2800  }
0x22a: {  	[sflag:s9] =	ssyncset.done $0x0  }
0x22b: {  	[sflag:s9] =	ssyncadd.s32 $0xFFFFD800  }
0x22c: {  	_ =	swait.ge [sflag:s23], $0x50  }
0x22d: {  	[sflag:s23] =	ssyncset.done $0x0  }
0x22e: {  	[sflag:s23] =	ssyncadd.s32 $0xFFFFFFB0  }
0x22f: {  	[spmem:s3] =	stream.indirect.scatter.add.f32 [tilespmem:s31], [sflag:$0x4], $0x80, s28, s29, $0xb8;
	[tilespmem:$0x1CE00] =	vst v63  }
0x230: {  	_ =	swait.ge [sflag:s11], $0x2800  }
0x231: {  	[sflag:s11] =	ssyncset.done $0x0  }
0x232: {  	[sflag:s11] =	ssyncadd.s32 $0xFFFFD800  }
0x233: {  	_ =	swait.ge [sflag:s16], $0x2800  }
0x234: {  	[sflag:s16] =	ssyncset.done $0x0  }
0x235: {  	[sflag:s16] =	ssyncadd.s32 $0xFFFFD800  }
0x236: {  	_ =	swait.ge [sflag:s22], $0x50  }
0x237: {  	[sflag:s22] =	ssyncset.done $0x0  }
0x238: {  	[sflag:s22] =	ssyncadd.s32 $0xFFFFFFB0  }
0x239: {  	[spmem:s3] =	stream.indirect.scatter.add.f32 [tilespmem:s6], [sflag:$0x5], $0x80, s24, s29, $0xb8;
	[tilespmem:$0x1CE00] =	vst v63  }
0x23a: {  	_ =	swait.ge [sflag:s18], $0x2800  }
0x23b: {  	[sflag:s18] =	ssyncset.done $0x0  }
0x23c: {  	[sflag:s18] =	ssyncadd.s32 $0xFFFFD800  }
0x23d: {  	[bflag:$0x0] =	sbarrier.arrive $0xFFFF  }
0x23e: {  	s25 =	rddreg [dreg:$0x19]  }
0x23f: {  	s24 =	stileid.u32;
	s15 =	sshrl.u32 s25, $0x3;
	s25 =	sld [smem:$0x7E9]  }
0x240: {  	s14 =	sshll.u32 s24, $0x6  }
0x241: {  	s26 =	simm.s32 $0x14;
	s14 =	sor.u32 $0x1C14, s14  }
0x242: {  	[hbm:s25], [sflag:s14] =	dma.local [spmem:s15], $0x2780  }
0x243: {  	_ =	swait.ge [sflag:s26], $0x2780  }
0x244: {  	s30 =	sld [smem:$0x7E4]  }
0x245: {  	s31 =	sld [smem:$0x7EA];
	_ =	sdelay $0x1  }
0x246: {  	s5 =	sadd.s32 $0x1, s30  }
0x247: {  	p0 =	sne.s32 s5, s31  }
.Ltmp2:
0x248: {  	_ = 	snop;
	(pc) =	sbr.rel @p0 .LBB2_1-.Ltmp2, $4  }
0x249: {  	s1 =	simm.s32 $0x13C00  }
0x24a: {  	s2 =	simm.s32 $0x13F00;
	s17 =	simm.s32 $0x16A00;
	s21 =	simm.s32 $0x13E80  }
0x24b: {  	s22 =	simm.s32 $0x14180;
	s15 =	simm.s32 $0x13C80;
	[sflag:s26] =	ssyncset.done $0x0  }
0x24c: {  	s25 =	simm.s32 $0x13F80;
	[sflag:s26] =	ssyncadd.s32 $0xFFFFD880;
	s26 =	simm.s32 $0x13D00  }
0x24d: {  	_ =	sfence.sel $0x180000  }
0x24e: {  	[bflag:$0x0] =	sbarrier.arrive $0xFFFF  }
0x24f: {  	_ =	strace $0x90000047  }
0x250: {  	s0 =	stileid.u32;
	[bflag:$0x2] =	sbarrier.arrive $0xFFFF  }
0x251: {  	p0 =	sne.s32 s0, $0x0;
	s0 =	rddreg [dreg:$0x4]  }
0x252: {  	s0 =	sadd.s32 @!p0 $0x100000, s0  }
0x253: {  	[sflag:s0] =	ssyncadd.tile.s32 @!p0 $0x1;
	_ =	shalt  }
.Lfunc_end2:
_tile_overlayer_lowered:
.L_overlay_start_2:
0x254: {  	(tag) =	ssettag $0x2  }
0x255: {  	s0 =	rddreg [dreg:$0x0];
	s2 =	stileid.u32  }
0x256: {  	s1 =	rddreg [dreg:$0x1];
	p0 =	sne.s32 s2, $0x0  }
0x257: {  	s3 =	rddreg [dreg:$0x2];
	[bflag:$0x3] =	sbarrier.arrive $0xFFFF;
	s2 =	simm.s32 @!p0 $0x1C14  }
0x258: {  	[timem:s3], [sflag:s2] =	dma.local @!p0 [hbm:s0], s1  }
0x259: {  	s0 =	simm.s32 @!p0 $0x14  }
0x25a: {  	_ =	swait.ge @!p0 [sflag:s0], s1  }
0x25b: {  	s1 =	ssub.s32 @!p0 $0x0, s1;
	[sflag:s0] =	ssyncset.done @!p0 $0x0  }
0x25c: {  	[sflag:s0] =	ssyncadd.s32 @!p0 s1  }
0x25d: {  	[bflag:$0x3] =	sbarrier.arrive $0xFFFF  }
0x25e: {  	_ =	shalt  }

</sc_bundles>
